<compile_context>
chip_gen: v7x
topology: tpu7x:2x2x1
jax: 0.10.2.dev20260603
libtpu: 0.0.44.dev20260713+nightly
codegen_flags: <defaults>
</compile_context>

<pallas_src>
import jax
import jax.numpy as jnp
from jax import lax
from jax.experimental import pallas as pl
from jax.experimental.pallas import tpu as pltpu
from jax.experimental.pallas import tpu_sc as plsc

B, C, N = 64, 16, 4096
SEG = 128
BLK = 256
NCG = N // BLK
NUM_CORES = 2
NUM_SUBCORES = 16
NW = NUM_CORES * NUM_SUBCORES
UNITS = B * NCG
UPW = UNITS // NW

A0 = (-1.0 / 6.0, 2.0 / 3.0, 2.0 / 3.0, -1.0 / 6.0)
A1 = (1.0 / 6.0, -4.0 / 3.0, 4.0 / 3.0, -1.0 / 6.0)
A2 = (2.0 / 3.0, -2.0 / 3.0, -2.0 / 3.0, 2.0 / 3.0)
A3 = (-2.0 / 3.0, 4.0 / 3.0, -4.0 / 3.0, 2.0 / 3.0)


def _sc_body(x_hbm, w_hbm, out_hbm,
             xid0, xid1, xb0, xb1, tab_v, tab2_v, o0, o1, si0, si1, so0, so1):
    wid = lax.axis_index("s") * NUM_CORES + lax.axis_index("c")
    base = wid
    pltpu.sync_copy(w_hbm, tab_v)
    iota = lax.iota(jnp.int32, 16)
    iota3 = iota * 3
    iota129 = iota * (SEG + 1)

    @plsc.parallel_loop(0, C * (SEG // 16), unroll=2)
    def fold_body(i):
        c = i // (SEG // 16)
        sk = i - c * (SEG // 16)
        cs = jnp.full((16,), c, dtype=jnp.int32)
        widx = iota3 + sk * 48
        w0 = plsc.load_gather(tab_v, [cs, widx])
        w1 = plsc.load_gather(tab_v, [cs, widx + 1])
        w2 = plsc.load_gather(tab_v, [cs, widx + 2])
        w3 = plsc.load_gather(tab_v, [cs, widx + 3])
        scol = cs * (SEG + 1) + iota + sk * 16
        for k, AK in enumerate((A0, A1, A2, A3)):
            p = AK[0] * w0 + AK[1] * w1 + AK[2] * w2 + AK[3] * w3
            plsc.store_scatter(tab2_v.at[k], [scol], p)

    def unit_bcg(u):
        unit = u * NW + base
        b = unit // NCG
        cg = unit - b * NCG
        return b, cg, cg * BLK

    def start_in(u, xid_v, xb_v, sem):
        b, cg, col0 = unit_bcg(u)
        pltpu.async_copy(x_hbm.at[b, cg], xid_v, sem)
        pltpu.async_copy(x_hbm.at[b, :, pl.ds(col0, BLK)],
                         xb_v.at[:, pl.ds(0, BLK)], sem)

    def wait_in(xid_v, xb_v, sem):
        pltpu.make_async_copy(x_hbm.at[0, 0], xid_v, sem).wait()
        pltpu.make_async_copy(x_hbm.at[0, :, pl.ds(0, BLK)],
                              xb_v.at[:, pl.ds(0, BLK)], sem).wait()

    def start_out(u, out_v, sem):
        b, _cg, col0 = unit_bcg(u)
        pltpu.async_copy(out_v.at[:, pl.ds(0, BLK)],
                         out_hbm.at[b, :, pl.ds(col0, BLK)], sem)

    def wait_out(out_v, sem):
        pltpu.make_async_copy(out_v.at[:, pl.ds(0, BLK)],
                              out_hbm.at[0, :, pl.ds(0, BLK)], sem).wait()

    def compute(xid_v, xb_v, out_v):
        @plsc.parallel_loop(0, BLK, unroll=2)
        def col_body(ih):
            va = xid_v[pl.ds(ih * 16, 16)]
            tmpa = (va + 1.0) * 64.0
            ida = jnp.maximum(jnp.minimum(tmpa.astype(jnp.int32), SEG - 1), 0)
            gv = iota129 + ida
            p0 = plsc.load_gather(tab2_v.at[0], [gv])
            p1 = plsc.load_gather(tab2_v.at[1], [gv])
            p2 = plsc.load_gather(tab2_v.at[2], [gv])
            p3 = plsc.load_gather(tab2_v.at[3], [gv])
            ihv = jnp.full((16,), ih, dtype=jnp.int32)
            xc = plsc.load_gather(xb_v, [iota, ihv])
            tmpb = (xc + 1.0) * 64.0
            idb = jnp.maximum(jnp.minimum(tmpb.astype(jnp.int32), SEG - 1), 0)
            t = 2.0 * (tmpb - idb.astype(jnp.float32)) - 1.0
            acc = ((p3 * t + p2) * t + p1) * t + p0
            plsc.store_scatter(out_v, [iota, ihv], acc)

    start_in(0, xid0, xb0, si0)

    def g_body(g, carry):
        u0 = 2 * g
        start_in(u0 + 1, xid1, xb1, si1)
        wait_in(xid0, xb0, si0)

        @pl.when(g >= 1)
        def _w0():
            wait_out(o0, so0)

        compute(xid0, xb0, o0)
        start_out(u0, o0, so0)

        @pl.when(g < UPW // 2 - 1)
        def _s0():
            start_in(u0 + 2, xid0, xb0, si0)

        wait_in(xid1, xb1, si1)

        @pl.when(g >= 1)
        def _w1():
            wait_out(o1, so1)

        compute(xid1, xb1, o1)
        start_out(u0 + 1, o1, so1)
        return carry

    lax.fori_loop(0, UPW // 2, g_body, None)
    wait_out(o0, so0)
    wait_out(o1, so1)


@jax.jit
def kernel(x, w_table):
    mesh = plsc.VectorSubcoreMesh(
        core_axis_name="c", subcore_axis_name="s",
        num_cores=NUM_CORES, num_subcores=NUM_SUBCORES,
    )
    f = pl.kernel(
        _sc_body,
        out_type=jax.ShapeDtypeStruct((B, C, N), jnp.float32),
        mesh=mesh,
        scratch_types=[
            pltpu.VMEM((N,), jnp.float32),
            pltpu.VMEM((N,), jnp.float32),
            pltpu.VMEM((C, BLK + 1), jnp.float32),
            pltpu.VMEM((C, BLK + 1), jnp.float32),
            pltpu.VMEM((C, 3 * SEG + 1), jnp.float32),
            pltpu.VMEM((4, C * (SEG + 1)), jnp.float32),
            pltpu.VMEM((C, BLK + 1), jnp.float32),
            pltpu.VMEM((C, BLK + 1), jnp.float32),
            pltpu.SemaphoreType.DMA,
            pltpu.SemaphoreType.DMA,
            pltpu.SemaphoreType.DMA,
            pltpu.SemaphoreType.DMA,
        ],
        compiler_params=pltpu.CompilerParams(
            use_tc_tiling_on_sc=False, needs_layout_passes=False,
        ),
    )
    return f(x, w_table)

# --- scband reference (transcript-rebuilt; emitter-appended) ---
"""Pipeline reference for scband-piecewise-shared-70952859730191 (READ-ONLY COPY).

The authoritative reference and input builder live on the scoring server;
editing this copy changes nothing except your own understanding.
"""

import jax, jax.numpy as jnp
import numpy as np

N_BASIS = 4
SEGMENTS = 128
IN_CHANNELS = 16
LENGTH = 2.0
HALF = 0.5 * LENGTH
BATCH = 64
NODES = 4096


def chebyshev_lobatto(n):
    k = np.arange(n)
    return -np.cos(np.pi * k / (n - 1))


def lagrange_basis(x, X, j):
    n = X.shape[0]
    terms = [(x - X[m]) / (X[j] - X[m]) for m in range(n) if m != j]
    return jnp.prod(jnp.stack(terms, axis=0), axis=0)


def setup_inputs(seed: int = 0) -> dict:
    key = jax.random.key(seed)
    k1, k2 = jax.random.split(key)
    x = jax.random.normal(k1, (BATCH, IN_CHANNELS, NODES), dtype=jnp.float32)
    w_table = jax.random.uniform(
        k2,
        (IN_CHANNELS, (N_BASIS - 1) * SEGMENTS + 1),
        minval=-1.0,
        maxval=1.0,
        dtype=jnp.float32,
    )
    return {"x": x, "w_table": w_table}


def reference(x, w_table):
    n = N_BASIS
    segments = SEGMENTS
    in_channels = IN_CHANNELS
    # segment index per element (torch .long() truncates toward zero; astype(int32) matches)
    id_min = ((x + HALF) / LENGTH * segments).astype(jnp.int32)
    id_min = jnp.where(id_min <= segments - 1, id_min, segments - 1)
    id_min = jnp.where(id_min >= 0, id_min, 0)
    id_max = id_min + 1
    wid_min = id_min * (n - 1)
    wid_max = id_max * (n - 1) + 1  # computed in the original forward (unused downstream)
    del wid_max
    wid_min_flat = wid_min.reshape(-1)
    # per-element window of n weight columns: gather-heavy, SparseCore-friendly
    wrange = wid_min_flat[:, None] + jnp.arange(n)  # [T, n]
    windex = (jnp.arange(wrange.shape[0] * wrange.shape[1]) // n) % in_channels
    wrange_flat = wrange.reshape(-1)
    w = w_table[windex, wrange_flat]  # gather from shared table
    batch = x.shape[0]
    nodes = x.shape[-1]
    w = w.reshape(batch, nodes, in_channels, n)
    # eta(index) = index/segments * 2 - 1
    x_min = (id_min / float(segments)) * 2.0 - 1.0
    x_max = (id_max / float(segments)) * 2.0 - 1.0
    x_in = LENGTH * ((x - x_min) / (x_max - x_min)) - HALF
    # Lagrange polynomial interpolation on Chebyshev-Lobatto points (poly = LagrangePoly(n))
    X = jnp.asarray(chebyshev_lobatto(n) * (LENGTH / 2.0), dtype=jnp.float32)
    basis = jnp.stack([lagrange_basis(x_in, X, j) for j in range(n)], axis=0)  # [n, b, c, x]
    result = jnp.einsum("jbcx,bxcj->bcx", basis, w)
    return result

if __name__ == "__main__":
    import jax
    _d = setup_inputs()
    print(jax.jit(kernel)(*tuple(_d.values())))

</pallas_src>

<mosaic_0001>
#map = affine_map<(d0, d1) -> (0, 0, 0)>
#map1 = affine_map<(d0, d1) -> (0, 0)>
module attributes {stable_mosaic.version = 14 : i64} {
  func.func @_sc_body(%arg0: i32, %arg1: i32, %arg2: memref<64x16x4096xf32, #tpu.memory_space<hbm>>, %arg3: memref<16x385xf32, #tpu.memory_space<hbm>>, %arg4: memref<64x16x4096xf32, #tpu.memory_space<hbm>>, %arg5: memref<4096xf32, #tpu.memory_space<vmem>>, %arg6: memref<4096xf32, #tpu.memory_space<vmem>>, %arg7: memref<16x257xf32, #tpu.memory_space<vmem>>, %arg8: memref<16x257xf32, #tpu.memory_space<vmem>>, %arg9: memref<16x385xf32, #tpu.memory_space<vmem>>, %arg10: memref<4x2064xf32, #tpu.memory_space<vmem>>, %arg11: memref<16x257xf32, #tpu.memory_space<vmem>>, %arg12: memref<16x257xf32, #tpu.memory_space<vmem>>, %arg13: memref<!tpu.dma_semaphore, #tpu.memory_space<semaphore_mem>>, %arg14: memref<!tpu.dma_semaphore, #tpu.memory_space<semaphore_mem>>, %arg15: memref<!tpu.dma_semaphore, #tpu.memory_space<semaphore_mem>>, %arg16: memref<!tpu.dma_semaphore, #tpu.memory_space<semaphore_mem>>) attributes {dimension_semantics = [#tpu.dimension_semantics<core_parallel>, #tpu.dimension_semantics<subcore_parallel>], iteration_bounds = array<i64: 2, 16>, scalar_prefetch = 0 : i64, scratch_operands = 12 : i64, tpu.core_type = #tpu.core_type<sc_vector_subcore>, window_params = [{transform_indices = #map}, {transform_indices = #map1}, {transform_indices = #map}]} {
    %mul3A = arith.constant 2 : i32
    %mul3A_0 = arith.muli %arg1, %mul3A : i32
    %add3A = arith.addi %mul3A_0, %arg0 : i32
    "tpu.region"() ({
      %run_scoped3A = tpu.sem_alloc : memref<!tpu.dma_semaphore, #tpu.memory_space<semaphore_mem>>
      tpu.enqueue_dma source(%arg3 : memref<16x385xf32, #tpu.memory_space<hbm>>) target(%arg9 : memref<16x385xf32, #tpu.memory_space<vmem>>) target_semaphore(%run_scoped3A : memref<!tpu.dma_semaphore, #tpu.memory_space<semaphore_mem>>)
      tpu.wait_dma2 semaphore(%run_scoped3A : memref<!tpu.dma_semaphore, #tpu.memory_space<semaphore_mem>>) src(%arg3 : memref<16x385xf32, #tpu.memory_space<hbm>>) dst(%arg9 : memref<16x385xf32, #tpu.memory_space<vmem>>)
      tpu.yield
    }) : () -> ()
    %iota3A = tpu.iota {dimensions = array<i32: 0>} : vector<16xi32>
    %mul3A_1 = arith.constant 3 : i32
    %mul3A_2 = vector.broadcast %mul3A_1 : i32 to vector<16xi32>
    %mul3A_3 = arith.muli %iota3A, %mul3A_2 : vector<16xi32>
    %mul3A_4 = arith.constant 129 : i32
    %mul3A_5 = vector.broadcast %mul3A_4 : i32 to vector<16xi32>
    %mul3A_6 = arith.muli %iota3A, %mul3A_5 : vector<16xi32>
    %parallel_loop3A = arith.constant 0 : i32
    %parallel_loop3A_7 = arith.constant 128 : i32
    %parallel_loop3A_8 = arith.constant 1 : i32
    scf.for %parallel_loop3A_82 = %parallel_loop3A to %parallel_loop3A_7 step %parallel_loop3A_8  : i32 {
      %parallel_loop3A_83 = arith.constant 8 : i32
      %parallel_loop3A_84 = arith.divsi %parallel_loop3A_82, %parallel_loop3A_83 : i32
      %parallel_loop3A_85 = arith.constant 0 : i32
      %parallel_loop3A_86 = arith.cmpi sgt, %parallel_loop3A_82, %parallel_loop3A_85 : i32
      %parallel_loop3A_87 = arith.extui %parallel_loop3A_86 : i1 to i32
      %parallel_loop3A_88 = arith.constant 0 : i32
      %parallel_loop3A_89 = arith.cmpi slt, %parallel_loop3A_82, %parallel_loop3A_88 : i32
      %parallel_loop3A_90 = arith.extui %parallel_loop3A_89 : i1 to i32
      %parallel_loop3A_91 = arith.subi %parallel_loop3A_87, %parallel_loop3A_90 : i32
      %parallel_loop3A_92 = arith.constant 0 : i32
      %parallel_loop3A_93 = arith.cmpi sgt, %parallel_loop3A_83, %parallel_loop3A_92 : i32
      %parallel_loop3A_94 = arith.extui %parallel_loop3A_93 : i1 to i32
      %parallel_loop3A_95 = arith.constant 0 : i32
      %parallel_loop3A_96 = arith.cmpi slt, %parallel_loop3A_83, %parallel_loop3A_95 : i32
      %parallel_loop3A_97 = arith.extui %parallel_loop3A_96 : i1 to i32
      %parallel_loop3A_98 = arith.subi %parallel_loop3A_94, %parallel_loop3A_97 : i32
      %parallel_loop3A_99 = arith.cmpi ne, %parallel_loop3A_91, %parallel_loop3A_98 : i32
      %parallel_loop3A_100 = arith.remsi %parallel_loop3A_82, %parallel_loop3A_83 : i32
      %parallel_loop3A_101 = arith.constant 0 : i32
      %parallel_loop3A_102 = arith.cmpi ne, %parallel_loop3A_100, %parallel_loop3A_101 : i32
      %parallel_loop3A_103 = arith.andi %parallel_loop3A_99, %parallel_loop3A_102 : i1
      %parallel_loop3A_104 = arith.constant 1 : i32
      %parallel_loop3A_105 = arith.subi %parallel_loop3A_84, %parallel_loop3A_104 : i32
      %parallel_loop3A_106 = arith.select %parallel_loop3A_103, %parallel_loop3A_105, %parallel_loop3A_84 : i32
      %parallel_loop3A_107 = arith.constant 8 : i32
      %parallel_loop3A_108 = arith.muli %parallel_loop3A_106, %parallel_loop3A_107 : i32
      %parallel_loop3A_109 = arith.subi %parallel_loop3A_82, %parallel_loop3A_108 : i32
      %parallel_loop3A_110 = vector.broadcast %parallel_loop3A_106 : i32 to vector<16xi32>
      %parallel_loop3A_111 = arith.constant 48 : i32
      %parallel_loop3A_112 = arith.muli %parallel_loop3A_109, %parallel_loop3A_111 : i32
      %parallel_loop3A_113 = vector.broadcast %parallel_loop3A_112 : i32 to vector<16xi32>
      %parallel_loop3A_114 = arith.addi %mul3A_3, %parallel_loop3A_113 : vector<16xi32>
      %parallel_loop3A_115 = tpu.vector_load_idx %arg9[%parallel_loop3A_110, %parallel_loop3A_114] : memref<16x385xf32, #tpu.memory_space<vmem>>[vector<16xi32>, vector<16xi32>], vector<16xf32>,
      %parallel_loop3A_116 = arith.constant 1 : i32
      %parallel_loop3A_117 = vector.broadcast %parallel_loop3A_116 : i32 to vector<16xi32>
      %parallel_loop3A_118 = arith.addi %parallel_loop3A_114, %parallel_loop3A_117 : vector<16xi32>
      %parallel_loop3A_119 = tpu.vector_load_idx %arg9[%parallel_loop3A_110, %parallel_loop3A_118] : memref<16x385xf32, #tpu.memory_space<vmem>>[vector<16xi32>, vector<16xi32>], vector<16xf32>,
      %parallel_loop3A_120 = arith.constant 2 : i32
      %parallel_loop3A_121 = vector.broadcast %parallel_loop3A_120 : i32 to vector<16xi32>
      %parallel_loop3A_122 = arith.addi %parallel_loop3A_114, %parallel_loop3A_121 : vector<16xi32>
      %parallel_loop3A_123 = tpu.vector_load_idx %arg9[%parallel_loop3A_110, %parallel_loop3A_122] : memref<16x385xf32, #tpu.memory_space<vmem>>[vector<16xi32>, vector<16xi32>], vector<16xf32>,
      %parallel_loop3A_124 = arith.constant 3 : i32
      %parallel_loop3A_125 = vector.broadcast %parallel_loop3A_124 : i32 to vector<16xi32>
      %parallel_loop3A_126 = arith.addi %parallel_loop3A_114, %parallel_loop3A_125 : vector<16xi32>
      %parallel_loop3A_127 = tpu.vector_load_idx %arg9[%parallel_loop3A_110, %parallel_loop3A_126] : memref<16x385xf32, #tpu.memory_space<vmem>>[vector<16xi32>, vector<16xi32>], vector<16xf32>,
      %parallel_loop3A_128 = arith.constant 129 : i32
      %parallel_loop3A_129 = vector.broadcast %parallel_loop3A_128 : i32 to vector<16xi32>
      %parallel_loop3A_130 = arith.muli %parallel_loop3A_110, %parallel_loop3A_129 : vector<16xi32>
      %parallel_loop3A_131 = arith.addi %parallel_loop3A_130, %iota3A : vector<16xi32>
      %parallel_loop3A_132 = arith.constant 16 : i32
      %parallel_loop3A_133 = arith.muli %parallel_loop3A_109, %parallel_loop3A_132 : i32
      %parallel_loop3A_134 = vector.broadcast %parallel_loop3A_133 : i32 to vector<16xi32>
      %parallel_loop3A_135 = arith.addi %parallel_loop3A_131, %parallel_loop3A_134 : vector<16xi32>
      %parallel_loop3A_136 = arith.constant -0.166666672 : f32
      %parallel_loop3A_137 = vector.broadcast %parallel_loop3A_136 : f32 to vector<16xf32>
      %parallel_loop3A_138 = arith.mulf %parallel_loop3A_137, %parallel_loop3A_115 : vector<16xf32>
      %parallel_loop3A_139 = arith.constant 0.666666686 : f32
      %parallel_loop3A_140 = vector.broadcast %parallel_loop3A_139 : f32 to vector<16xf32>
      %parallel_loop3A_141 = arith.mulf %parallel_loop3A_140, %parallel_loop3A_119 : vector<16xf32>
      %parallel_loop3A_142 = arith.addf %parallel_loop3A_138, %parallel_loop3A_141 : vector<16xf32>
      %parallel_loop3A_143 = arith.constant 0.666666686 : f32
      %parallel_loop3A_144 = vector.broadcast %parallel_loop3A_143 : f32 to vector<16xf32>
      %parallel_loop3A_145 = arith.mulf %parallel_loop3A_144, %parallel_loop3A_123 : vector<16xf32>
      %parallel_loop3A_146 = arith.addf %parallel_loop3A_142, %parallel_loop3A_145 : vector<16xf32>
      %parallel_loop3A_147 = arith.constant -0.166666672 : f32
      %parallel_loop3A_148 = vector.broadcast %parallel_loop3A_147 : f32 to vector<16xf32>
      %parallel_loop3A_149 = arith.mulf %parallel_loop3A_148, %parallel_loop3A_127 : vector<16xf32>
      %parallel_loop3A_150 = arith.addf %parallel_loop3A_146, %parallel_loop3A_149 : vector<16xf32>
      %parallel_loop3A_151 = arith.constant 0 : i32
      %parallel_loop3A_152 = arith.constant 0 : i32
      %parallel_loop3A_153 = tpu.memref_slice %arg10[%parallel_loop3A_151, %parallel_loop3A_152] : memref<4x2064xf32, #tpu.memory_space<vmem>> -> memref<1x2064xf32, #tpu.memory_space<vmem>>
      %parallel_loop3A_154 = tpu.memref_squeeze %parallel_loop3A_153 : memref<1x2064xf32, #tpu.memory_space<vmem>> -> memref<2064xf32, #tpu.memory_space<vmem>>
      tpu.vector_store_idx %parallel_loop3A_154[%parallel_loop3A_135], %parallel_loop3A_150 : memref<2064xf32, #tpu.memory_space<vmem>>[vector<16xi32>], vector<16xf32>,
      %parallel_loop3A_155 = arith.constant 0.166666672 : f32
      %parallel_loop3A_156 = vector.broadcast %parallel_loop3A_155 : f32 to vector<16xf32>
      %parallel_loop3A_157 = arith.mulf %parallel_loop3A_156, %parallel_loop3A_115 : vector<16xf32>
      %parallel_loop3A_158 = arith.constant -1.33333337 : f32
      %parallel_loop3A_159 = vector.broadcast %parallel_loop3A_158 : f32 to vector<16xf32>
      %parallel_loop3A_160 = arith.mulf %parallel_loop3A_159, %parallel_loop3A_119 : vector<16xf32>
      %parallel_loop3A_161 = arith.addf %parallel_loop3A_157, %parallel_loop3A_160 : vector<16xf32>
      %parallel_loop3A_162 = arith.constant 1.33333337 : f32
      %parallel_loop3A_163 = vector.broadcast %parallel_loop3A_162 : f32 to vector<16xf32>
      %parallel_loop3A_164 = arith.mulf %parallel_loop3A_163, %parallel_loop3A_123 : vector<16xf32>
      %parallel_loop3A_165 = arith.addf %parallel_loop3A_161, %parallel_loop3A_164 : vector<16xf32>
      %parallel_loop3A_166 = arith.constant -0.166666672 : f32
      %parallel_loop3A_167 = vector.broadcast %parallel_loop3A_166 : f32 to vector<16xf32>
      %parallel_loop3A_168 = arith.mulf %parallel_loop3A_167, %parallel_loop3A_127 : vector<16xf32>
      %parallel_loop3A_169 = arith.addf %parallel_loop3A_165, %parallel_loop3A_168 : vector<16xf32>
      %parallel_loop3A_170 = arith.constant 1 : i32
      %parallel_loop3A_171 = arith.constant 0 : i32
      %parallel_loop3A_172 = tpu.memref_slice %arg10[%parallel_loop3A_170, %parallel_loop3A_171] : memref<4x2064xf32, #tpu.memory_space<vmem>> -> memref<1x2064xf32, #tpu.memory_space<vmem>>
      %parallel_loop3A_173 = tpu.memref_squeeze %parallel_loop3A_172 : memref<1x2064xf32, #tpu.memory_space<vmem>> -> memref<2064xf32, #tpu.memory_space<vmem>>
      tpu.vector_store_idx %parallel_loop3A_173[%parallel_loop3A_135], %parallel_loop3A_169 : memref<2064xf32, #tpu.memory_space<vmem>>[vector<16xi32>], vector<16xf32>,
      %parallel_loop3A_174 = arith.constant 0.666666686 : f32
      %parallel_loop3A_175 = vector.broadcast %parallel_loop3A_174 : f32 to vector<16xf32>
      %parallel_loop3A_176 = arith.mulf %parallel_loop3A_175, %parallel_loop3A_115 : vector<16xf32>
      %parallel_loop3A_177 = arith.constant -0.666666686 : f32
      %parallel_loop3A_178 = vector.broadcast %parallel_loop3A_177 : f32 to vector<16xf32>
      %parallel_loop3A_179 = arith.mulf %parallel_loop3A_178, %parallel_loop3A_119 : vector<16xf32>
      %parallel_loop3A_180 = arith.addf %parallel_loop3A_176, %parallel_loop3A_179 : vector<16xf32>
      %parallel_loop3A_181 = arith.constant -0.666666686 : f32
      %parallel_loop3A_182 = vector.broadcast %parallel_loop3A_181 : f32 to vector<16xf32>
      %parallel_loop3A_183 = arith.mulf %parallel_loop3A_182, %parallel_loop3A_123 : vector<16xf32>
      %parallel_loop3A_184 = arith.addf %parallel_loop3A_180, %parallel_loop3A_183 : vector<16xf32>
      %parallel_loop3A_185 = arith.constant 0.666666686 : f32
      %parallel_loop3A_186 = vector.broadcast %parallel_loop3A_185 : f32 to vector<16xf32>
      %parallel_loop3A_187 = arith.mulf %parallel_loop3A_186, %parallel_loop3A_127 : vector<16xf32>
      %parallel_loop3A_188 = arith.addf %parallel_loop3A_184, %parallel_loop3A_187 : vector<16xf32>
      %parallel_loop3A_189 = arith.constant 2 : i32
      %parallel_loop3A_190 = arith.constant 0 : i32
      %parallel_loop3A_191 = tpu.memref_slice %arg10[%parallel_loop3A_189, %parallel_loop3A_190] : memref<4x2064xf32, #tpu.memory_space<vmem>> -> memref<1x2064xf32, #tpu.memory_space<vmem>>
      %parallel_loop3A_192 = tpu.memref_squeeze %parallel_loop3A_191 : memref<1x2064xf32, #tpu.memory_space<vmem>> -> memref<2064xf32, #tpu.memory_space<vmem>>
      tpu.vector_store_idx %parallel_loop3A_192[%parallel_loop3A_135], %parallel_loop3A_188 : memref<2064xf32, #tpu.memory_space<vmem>>[vector<16xi32>], vector<16xf32>,
      %parallel_loop3A_193 = arith.constant -0.666666686 : f32
      %parallel_loop3A_194 = vector.broadcast %parallel_loop3A_193 : f32 to vector<16xf32>
      %parallel_loop3A_195 = arith.mulf %parallel_loop3A_194, %parallel_loop3A_115 : vector<16xf32>
      %parallel_loop3A_196 = arith.constant 1.33333337 : f32
      %parallel_loop3A_197 = vector.broadcast %parallel_loop3A_196 : f32 to vector<16xf32>
      %parallel_loop3A_198 = arith.mulf %parallel_loop3A_197, %parallel_loop3A_119 : vector<16xf32>
      %parallel_loop3A_199 = arith.addf %parallel_loop3A_195, %parallel_loop3A_198 : vector<16xf32>
      %parallel_loop3A_200 = arith.constant -1.33333337 : f32
      %parallel_loop3A_201 = vector.broadcast %parallel_loop3A_200 : f32 to vector<16xf32>
      %parallel_loop3A_202 = arith.mulf %parallel_loop3A_201, %parallel_loop3A_123 : vector<16xf32>
      %parallel_loop3A_203 = arith.addf %parallel_loop3A_199, %parallel_loop3A_202 : vector<16xf32>
      %parallel_loop3A_204 = arith.constant 0.666666686 : f32
      %parallel_loop3A_205 = vector.broadcast %parallel_loop3A_204 : f32 to vector<16xf32>
      %parallel_loop3A_206 = arith.mulf %parallel_loop3A_205, %parallel_loop3A_127 : vector<16xf32>
      %parallel_loop3A_207 = arith.addf %parallel_loop3A_203, %parallel_loop3A_206 : vector<16xf32>
      %parallel_loop3A_208 = arith.constant 3 : i32
      %parallel_loop3A_209 = arith.constant 0 : i32
      %parallel_loop3A_210 = tpu.memref_slice %arg10[%parallel_loop3A_208, %parallel_loop3A_209] : memref<4x2064xf32, #tpu.memory_space<vmem>> -> memref<1x2064xf32, #tpu.memory_space<vmem>>
      %parallel_loop3A_211 = tpu.memref_squeeze %parallel_loop3A_210 : memref<1x2064xf32, #tpu.memory_space<vmem>> -> memref<2064xf32, #tpu.memory_space<vmem>>
      tpu.vector_store_idx %parallel_loop3A_211[%parallel_loop3A_135], %parallel_loop3A_207 : memref<2064xf32, #tpu.memory_space<vmem>>[vector<16xi32>], vector<16xf32>,
    } {sc.loop_unroll_factor = 2 : i64, sc.parallel_access}
    %add3A_9 = arith.constant 0 : i32
    %add3A_10 = arith.addi %add3A_9, %add3A : i32
    %jit3A = arith.constant 16 : i32
    %div3A = arith.divsi %add3A_10, %jit3A : i32
    %sign3A = arith.constant 0 : i32
    %sign3A_11 = arith.cmpi sgt, %add3A_10, %sign3A : i32
    %sign3A_12 = arith.extui %sign3A_11 : i1 to i32
    %sign3A_13 = arith.constant 0 : i32
    %sign3A_14 = arith.cmpi slt, %add3A_10, %sign3A_13 : i32
    %sign3A_15 = arith.extui %sign3A_14 : i1 to i32
    %sign3A_16 = arith.subi %sign3A_12, %sign3A_15 : i32
    %sign3A_17 = arith.constant 0 : i32
    %sign3A_18 = arith.cmpi sgt, %jit3A, %sign3A_17 : i32
    %sign3A_19 = arith.extui %sign3A_18 : i1 to i32
    %sign3A_20 = arith.constant 0 : i32
    %sign3A_21 = arith.cmpi slt, %jit3A, %sign3A_20 : i32
    %sign3A_22 = arith.extui %sign3A_21 : i1 to i32
    %sign3A_23 = arith.subi %sign3A_19, %sign3A_22 : i32
    %ne3A = arith.cmpi ne, %sign3A_16, %sign3A_23 : i32
    %rem3A = arith.remsi %add3A_10, %jit3A : i32
    %ne3A_24 = arith.constant 0 : i32
    %ne3A_25 = arith.cmpi ne, %rem3A, %ne3A_24 : i32
    %and3A = arith.andi %ne3A, %ne3A_25 : i1
    %sub3A = arith.constant 1 : i32
    %sub3A_26 = arith.subi %div3A, %sub3A : i32
    %select_n3A = arith.select %and3A, %sub3A_26, %div3A : i32
    %mul3A_27 = arith.constant 16 : i32
    %mul3A_28 = arith.muli %select_n3A, %mul3A_27 : i32
    %sub3A_29 = arith.subi %add3A_10, %mul3A_28 : i32
    %mul3A_30 = arith.constant 256 : i32
    %mul3A_31 = arith.muli %sub3A_29, %mul3A_30 : i32
    %dma_start3A = arith.constant 0 : i32
    %dma_start3A_32 = tpu.memref_slice %arg2[%select_n3A, %sub3A_29, %dma_start3A] : memref<64x16x4096xf32, #tpu.memory_space<hbm>> -> memref<1x1x4096xf32, #tpu.memory_space<hbm>>
    %dma_start3A_33 = tpu.memref_squeeze %dma_start3A_32 : memref<1x1x4096xf32, #tpu.memory_space<hbm>> -> memref<4096xf32, #tpu.memory_space<hbm>>
    %dma_start3A_34 = arith.constant 0 : i32
    %dma_start3A_35 = tpu.memref_slice %arg2[%select_n3A, %sub3A_29, %dma_start3A_34] : memref<64x16x4096xf32, #tpu.memory_space<hbm>> -> memref<1x1x4096xf32, #tpu.memory_space<hbm>>
    %dma_start3A_36 = tpu.memref_squeeze %dma_start3A_35 : memref<1x1x4096xf32, #tpu.memory_space<hbm>> -> memref<4096xf32, #tpu.memory_space<hbm>>
    tpu.enqueue_dma source(%dma_start3A_36 : memref<4096xf32, #tpu.memory_space<hbm>>) target(%arg5 : memref<4096xf32, #tpu.memory_space<vmem>>) target_semaphore(%arg13 : memref<!tpu.dma_semaphore, #tpu.memory_space<semaphore_mem>>)
    %dma_start3A_37 = arith.constant 0 : i32
    %dma_start3A_38 = arith.constant 0 : i32
    %dma_start3A_39 = tpu.memref_slice %arg7[%dma_start3A_37, %dma_start3A_38] : memref<16x257xf32, #tpu.memory_space<vmem>> -> memref<16x256xf32, #tpu.memory_space<vmem>>
    %dma_start3A_40 = arith.constant 0 : i32
    %dma_start3A_41 = tpu.memref_slice %arg2[%select_n3A, %dma_start3A_40, %mul3A_31] : memref<64x16x4096xf32, #tpu.memory_space<hbm>> -> memref<1x16x256xf32, #tpu.memory_space<hbm>>
    %dma_start3A_42 = tpu.memref_squeeze %dma_start3A_41 : memref<1x16x256xf32, #tpu.memory_space<hbm>> -> memref<16x256xf32, #tpu.memory_space<hbm>>
    %dma_start3A_43 = arith.constant 0 : i32
    %dma_start3A_44 = arith.constant 0 : i32
    %dma_start3A_45 = tpu.memref_slice %arg7[%dma_start3A_43, %dma_start3A_44] : memref<16x257xf32, #tpu.memory_space<vmem>> -> memref<16x256xf32, #tpu.memory_space<vmem>>
    %dma_start3A_46 = arith.constant 0 : i32
    %dma_start3A_47 = tpu.memref_slice %arg2[%select_n3A, %dma_start3A_46, %mul3A_31] : memref<64x16x4096xf32, #tpu.memory_space<hbm>> -> memref<1x16x256xf32, #tpu.memory_space<hbm>>
    %dma_start3A_48 = tpu.memref_squeeze %dma_start3A_47 : memref<1x16x256xf32, #tpu.memory_space<hbm>> -> memref<16x256xf32, #tpu.memory_space<hbm>>
    tpu.enqueue_dma source(%dma_start3A_48 : memref<16x256xf32, #tpu.memory_space<hbm>>) target(%dma_start3A_45 : memref<16x256xf32, #tpu.memory_space<vmem>>) target_semaphore(%arg13 : memref<!tpu.dma_semaphore, #tpu.memory_space<semaphore_mem>>)
    %scan3A = arith.constant 0 : i32
    %scan3A_49 = arith.constant 16 : i32
    %scan3A_50 = arith.addi %scan3A, %scan3A_49 : i32
    %scan3A_51 = arith.constant 1 : i32
    scf.for %scan3A_82 = %scan3A to %scan3A_50 step %scan3A_51  : i32 {
      %mul3A_83 = arith.constant 2 : i32
      %mul3A_84 = arith.muli %mul3A_83, %scan3A_82 : i32
      %add3A_85 = arith.constant 1 : i32
      %add3A_86 = arith.addi %mul3A_84, %add3A_85 : i32
      %mul3A_87 = arith.constant 32 : i32
      %mul3A_88 = arith.muli %add3A_86, %mul3A_87 : i32
      %add3A_89 = arith.addi %mul3A_88, %add3A : i32
      %jit3A_90 = arith.constant 16 : i32
      %div3A_91 = arith.divsi %add3A_89, %jit3A_90 : i32
      %sign3A_92 = arith.constant 0 : i32
      %sign3A_93 = arith.cmpi sgt, %add3A_89, %sign3A_92 : i32
      %sign3A_94 = arith.extui %sign3A_93 : i1 to i32
      %sign3A_95 = arith.constant 0 : i32
      %sign3A_96 = arith.cmpi slt, %add3A_89, %sign3A_95 : i32
      %sign3A_97 = arith.extui %sign3A_96 : i1 to i32
      %sign3A_98 = arith.subi %sign3A_94, %sign3A_97 : i32
      %sign3A_99 = arith.constant 0 : i32
      %sign3A_100 = arith.cmpi sgt, %jit3A_90, %sign3A_99 : i32
      %sign3A_101 = arith.extui %sign3A_100 : i1 to i32
      %sign3A_102 = arith.constant 0 : i32
      %sign3A_103 = arith.cmpi slt, %jit3A_90, %sign3A_102 : i32
      %sign3A_104 = arith.extui %sign3A_103 : i1 to i32
      %sign3A_105 = arith.subi %sign3A_101, %sign3A_104 : i32
      %ne3A_106 = arith.cmpi ne, %sign3A_98, %sign3A_105 : i32
      %rem3A_107 = arith.remsi %add3A_89, %jit3A_90 : i32
      %ne3A_108 = arith.constant 0 : i32
      %ne3A_109 = arith.cmpi ne, %rem3A_107, %ne3A_108 : i32
      %and3A_110 = arith.andi %ne3A_106, %ne3A_109 : i1
      %sub3A_111 = arith.constant 1 : i32
      %sub3A_112 = arith.subi %div3A_91, %sub3A_111 : i32
      %select_n3A_113 = arith.select %and3A_110, %sub3A_112, %div3A_91 : i32
      %mul3A_114 = arith.constant 16 : i32
      %mul3A_115 = arith.muli %select_n3A_113, %mul3A_114 : i32
      %sub3A_116 = arith.subi %add3A_89, %mul3A_115 : i32
      %mul3A_117 = arith.constant 256 : i32
      %mul3A_118 = arith.muli %sub3A_116, %mul3A_117 : i32
      %dma_start3A_119 = arith.constant 0 : i32
      %dma_start3A_120 = tpu.memref_slice %arg2[%select_n3A_113, %sub3A_116, %dma_start3A_119] : memref<64x16x4096xf32, #tpu.memory_space<hbm>> -> memref<1x1x4096xf32, #tpu.memory_space<hbm>>
      %dma_start3A_121 = tpu.memref_squeeze %dma_start3A_120 : memref<1x1x4096xf32, #tpu.memory_space<hbm>> -> memref<4096xf32, #tpu.memory_space<hbm>>
      %dma_start3A_122 = arith.constant 0 : i32
      %dma_start3A_123 = tpu.memref_slice %arg2[%select_n3A_113, %sub3A_116, %dma_start3A_122] : memref<64x16x4096xf32, #tpu.memory_space<hbm>> -> memref<1x1x4096xf32, #tpu.memory_space<hbm>>
      %dma_start3A_124 = tpu.memref_squeeze %dma_start3A_123 : memref<1x1x4096xf32, #tpu.memory_space<hbm>> -> memref<4096xf32, #tpu.memory_space<hbm>>
      tpu.enqueue_dma source(%dma_start3A_124 : memref<4096xf32, #tpu.memory_space<hbm>>) target(%arg6 : memref<4096xf32, #tpu.memory_space<vmem>>) target_semaphore(%arg14 : memref<!tpu.dma_semaphore, #tpu.memory_space<semaphore_mem>>)
      %dma_start3A_125 = arith.constant 0 : i32
      %dma_start3A_126 = arith.constant 0 : i32
      %dma_start3A_127 = tpu.memref_slice %arg8[%dma_start3A_125, %dma_start3A_126] : memref<16x257xf32, #tpu.memory_space<vmem>> -> memref<16x256xf32, #tpu.memory_space<vmem>>
      %dma_start3A_128 = arith.constant 0 : i32
      %dma_start3A_129 = tpu.memref_slice %arg2[%select_n3A_113, %dma_start3A_128, %mul3A_118] : memref<64x16x4096xf32, #tpu.memory_space<hbm>> -> memref<1x16x256xf32, #tpu.memory_space<hbm>>
      %dma_start3A_130 = tpu.memref_squeeze %dma_start3A_129 : memref<1x16x256xf32, #tpu.memory_space<hbm>> -> memref<16x256xf32, #tpu.memory_space<hbm>>
      %dma_start3A_131 = arith.constant 0 : i32
      %dma_start3A_132 = arith.constant 0 : i32
      %dma_start3A_133 = tpu.memref_slice %arg8[%dma_start3A_131, %dma_start3A_132] : memref<16x257xf32, #tpu.memory_space<vmem>> -> memref<16x256xf32, #tpu.memory_space<vmem>>
      %dma_start3A_134 = arith.constant 0 : i32
      %dma_start3A_135 = tpu.memref_slice %arg2[%select_n3A_113, %dma_start3A_134, %mul3A_118] : memref<64x16x4096xf32, #tpu.memory_space<hbm>> -> memref<1x16x256xf32, #tpu.memory_space<hbm>>
      %dma_start3A_136 = tpu.memref_squeeze %dma_start3A_135 : memref<1x16x256xf32, #tpu.memory_space<hbm>> -> memref<16x256xf32, #tpu.memory_space<hbm>>
      tpu.enqueue_dma source(%dma_start3A_136 : memref<16x256xf32, #tpu.memory_space<hbm>>) target(%dma_start3A_133 : memref<16x256xf32, #tpu.memory_space<vmem>>) target_semaphore(%arg14 : memref<!tpu.dma_semaphore, #tpu.memory_space<semaphore_mem>>)
      %dma_wait3A_137 = arith.constant 0 : i32
      %dma_wait3A_138 = arith.constant 0 : i32
      %dma_wait3A_139 = arith.constant 0 : i32
      %dma_wait3A_140 = tpu.memref_slice %arg2[%dma_wait3A_137, %dma_wait3A_138, %dma_wait3A_139] : memref<64x16x4096xf32, #tpu.memory_space<hbm>> -> memref<1x1x4096xf32, #tpu.memory_space<hbm>>
      %dma_wait3A_141 = tpu.memref_squeeze %dma_wait3A_140 : memref<1x1x4096xf32, #tpu.memory_space<hbm>> -> memref<4096xf32, #tpu.memory_space<hbm>>
      %dma_wait3A_142 = arith.constant 0 : i32
      %dma_wait3A_143 = tpu.memref_slice %arg2[%dma_wait3A_137, %dma_wait3A_138, %dma_wait3A_142] : memref<64x16x4096xf32, #tpu.memory_space<hbm>> -> memref<1x1x4096xf32, #tpu.memory_space<hbm>>
      %dma_wait3A_144 = tpu.memref_squeeze %dma_wait3A_143 : memref<1x1x4096xf32, #tpu.memory_space<hbm>> -> memref<4096xf32, #tpu.memory_space<hbm>>
      tpu.wait_dma2 semaphore(%arg13 : memref<!tpu.dma_semaphore, #tpu.memory_space<semaphore_mem>>) src(%dma_wait3A_144 : memref<4096xf32, #tpu.memory_space<hbm>>) dst(%arg5 : memref<4096xf32, #tpu.memory_space<vmem>>)
      %dma_wait3A_145 = arith.constant 0 : i32
      %dma_wait3A_146 = arith.constant 0 : i32
      %dma_wait3A_147 = arith.constant 0 : i32
      %dma_wait3A_148 = tpu.memref_slice %arg7[%dma_wait3A_146, %dma_wait3A_147] : memref<16x257xf32, #tpu.memory_space<vmem>> -> memref<16x256xf32, #tpu.memory_space<vmem>>
      %dma_wait3A_149 = arith.constant 0 : i32
      %dma_wait3A_150 = arith.constant 0 : i32
      %dma_wait3A_151 = tpu.memref_slice %arg2[%dma_wait3A_145, %dma_wait3A_149, %dma_wait3A_150] : memref<64x16x4096xf32, #tpu.memory_space<hbm>> -> memref<1x16x256xf32, #tpu.memory_space<hbm>>
      %dma_wait3A_152 = tpu.memref_squeeze %dma_wait3A_151 : memref<1x16x256xf32, #tpu.memory_space<hbm>> -> memref<16x256xf32, #tpu.memory_space<hbm>>
      %dma_wait3A_153 = arith.constant 0 : i32
      %dma_wait3A_154 = arith.constant 0 : i32
      %dma_wait3A_155 = tpu.memref_slice %arg7[%dma_wait3A_153, %dma_wait3A_154] : memref<16x257xf32, #tpu.memory_space<vmem>> -> memref<16x256xf32, #tpu.memory_space<vmem>>
      %dma_wait3A_156 = arith.constant 0 : i32
      %dma_wait3A_157 = arith.constant 0 : i32
      %dma_wait3A_158 = tpu.memref_slice %arg2[%dma_wait3A_145, %dma_wait3A_156, %dma_wait3A_157] : memref<64x16x4096xf32, #tpu.memory_space<hbm>> -> memref<1x16x256xf32, #tpu.memory_space<hbm>>
      %dma_wait3A_159 = tpu.memref_squeeze %dma_wait3A_158 : memref<1x16x256xf32, #tpu.memory_space<hbm>> -> memref<16x256xf32, #tpu.memory_space<hbm>>
      tpu.wait_dma2 semaphore(%arg13 : memref<!tpu.dma_semaphore, #tpu.memory_space<semaphore_mem>>) src(%dma_wait3A_159 : memref<16x256xf32, #tpu.memory_space<hbm>>) dst(%dma_wait3A_155 : memref<16x256xf32, #tpu.memory_space<vmem>>)
      %ge3A = arith.constant 1 : i32
      %ge3A_160 = arith.cmpi sge, %scan3A_82, %ge3A : i32
      %convert_element_type3A = arith.extui %ge3A_160 : i1 to i32
      %cond3A = arith.constant 0 : i32
      %cond3A_161 = arith.cmpi ne, %convert_element_type3A, %cond3A : i32
      scf.if %cond3A_161 {
        %dma_wait3A_290 = arith.constant 0 : i32
        %dma_wait3A_291 = arith.constant 0 : i32
        %dma_wait3A_292 = arith.constant 0 : i32
        %dma_wait3A_293 = tpu.memref_slice %arg11[%dma_wait3A_291, %dma_wait3A_292] : memref<16x257xf32, #tpu.memory_space<vmem>> -> memref<16x256xf32, #tpu.memory_space<vmem>>
        %dma_wait3A_294 = arith.constant 0 : i32
        %dma_wait3A_295 = arith.constant 0 : i32
        %dma_wait3A_296 = tpu.memref_slice %arg4[%dma_wait3A_290, %dma_wait3A_294, %dma_wait3A_295] : memref<64x16x4096xf32, #tpu.memory_space<hbm>> -> memref<1x16x256xf32, #tpu.memory_space<hbm>>
        %dma_wait3A_297 = tpu.memref_squeeze %dma_wait3A_296 : memref<1x16x256xf32, #tpu.memory_space<hbm>> -> memref<16x256xf32, #tpu.memory_space<hbm>>
        %dma_wait3A_298 = arith.constant 0 : i32
        %dma_wait3A_299 = arith.constant 0 : i32
        %dma_wait3A_300 = tpu.memref_slice %arg4[%dma_wait3A_290, %dma_wait3A_298, %dma_wait3A_299] : memref<64x16x4096xf32, #tpu.memory_space<hbm>> -> memref<1x16x256xf32, #tpu.memory_space<hbm>>
        %dma_wait3A_301 = tpu.memref_squeeze %dma_wait3A_300 : memref<1x16x256xf32, #tpu.memory_space<hbm>> -> memref<16x256xf32, #tpu.memory_space<hbm>>
        %dma_wait3A_302 = arith.constant 0 : i32
        %dma_wait3A_303 = arith.constant 0 : i32
        %dma_wait3A_304 = tpu.memref_slice %arg11[%dma_wait3A_302, %dma_wait3A_303] : memref<16x257xf32, #tpu.memory_space<vmem>> -> memref<16x256xf32, #tpu.memory_space<vmem>>
        tpu.wait_dma2 semaphore(%arg15 : memref<!tpu.dma_semaphore, #tpu.memory_space<semaphore_mem>>) src(%dma_wait3A_304 : memref<16x256xf32, #tpu.memory_space<vmem>>) dst(%dma_wait3A_301 : memref<16x256xf32, #tpu.memory_space<hbm>>)
      } else {
      }
      %parallel_loop3A_162 = arith.constant 0 : i32
      %parallel_loop3A_163 = arith.constant 256 : i32
      %parallel_loop3A_164 = arith.constant 1 : i32
      scf.for %parallel_loop3A_290 = %parallel_loop3A_162 to %parallel_loop3A_163 step %parallel_loop3A_164  : i32 {
        %parallel_loop3A_291 = arith.constant 16 : i32
        %parallel_loop3A_292 = arith.muli %parallel_loop3A_290, %parallel_loop3A_291 : i32
        %parallel_loop3A_293 = arith.index_cast %parallel_loop3A_292 : i32 to index
        %parallel_loop3A_294 = tpu.vector_load %arg5[%parallel_loop3A_293] {strides = array<i32>} : memref<4096xf32, #tpu.memory_space<vmem>>, vector<16xf32>,
        %parallel_loop3A_295 = arith.constant 1.000000e+00 : f32
        %parallel_loop3A_296 = vector.broadcast %parallel_loop3A_295 : f32 to vector<16xf32>
        %parallel_loop3A_297 = arith.addf %parallel_loop3A_294, %parallel_loop3A_296 : vector<16xf32>
        %parallel_loop3A_298 = arith.constant 6.400000e+01 : f32
        %parallel_loop3A_299 = vector.broadcast %parallel_loop3A_298 : f32 to vector<16xf32>
        %parallel_loop3A_300 = arith.mulf %parallel_loop3A_297, %parallel_loop3A_299 : vector<16xf32>
        %parallel_loop3A_301 = arith.fptosi %parallel_loop3A_300 : vector<16xf32> to vector<16xi32>
        %parallel_loop3A_302 = arith.constant 127 : i32
        %parallel_loop3A_303 = vector.broadcast %parallel_loop3A_302 : i32 to vector<16xi32>
        %parallel_loop3A_304 = arith.minsi %parallel_loop3A_301, %parallel_loop3A_303 : vector<16xi32>
        %parallel_loop3A_305 = arith.constant 0 : i32
        %parallel_loop3A_306 = vector.broadcast %parallel_loop3A_305 : i32 to vector<16xi32>
        %parallel_loop3A_307 = arith.maxsi %parallel_loop3A_304, %parallel_loop3A_306 : vector<16xi32>
        %parallel_loop3A_308 = arith.addi %mul3A_6, %parallel_loop3A_307 : vector<16xi32>
        %parallel_loop3A_309 = arith.constant 0 : i32
        %parallel_loop3A_310 = arith.constant 0 : i32
        %parallel_loop3A_311 = tpu.memref_slice %arg10[%parallel_loop3A_309, %parallel_loop3A_310] : memref<4x2064xf32, #tpu.memory_space<vmem>> -> memref<1x2064xf32, #tpu.memory_space<vmem>>
        %parallel_loop3A_312 = tpu.memref_squeeze %parallel_loop3A_311 : memref<1x2064xf32, #tpu.memory_space<vmem>> -> memref<2064xf32, #tpu.memory_space<vmem>>
        %parallel_loop3A_313 = tpu.vector_load_idx %parallel_loop3A_312[%parallel_loop3A_308] : memref<2064xf32, #tpu.memory_space<vmem>>[vector<16xi32>], vector<16xf32>,
        %parallel_loop3A_314 = arith.constant 1 : i32
        %parallel_loop3A_315 = arith.constant 0 : i32
        %parallel_loop3A_316 = tpu.memref_slice %arg10[%parallel_loop3A_314, %parallel_loop3A_315] : memref<4x2064xf32, #tpu.memory_space<vmem>> -> memref<1x2064xf32, #tpu.memory_space<vmem>>
        %parallel_loop3A_317 = tpu.memref_squeeze %parallel_loop3A_316 : memref<1x2064xf32, #tpu.memory_space<vmem>> -> memref<2064xf32, #tpu.memory_space<vmem>>
        %parallel_loop3A_318 = tpu.vector_load_idx %parallel_loop3A_317[%parallel_loop3A_308] : memref<2064xf32, #tpu.memory_space<vmem>>[vector<16xi32>], vector<16xf32>,
        %parallel_loop3A_319 = arith.constant 2 : i32
        %parallel_loop3A_320 = arith.constant 0 : i32
        %parallel_loop3A_321 = tpu.memref_slice %arg10[%parallel_loop3A_319, %parallel_loop3A_320] : memref<4x2064xf32, #tpu.memory_space<vmem>> -> memref<1x2064xf32, #tpu.memory_space<vmem>>
        %parallel_loop3A_322 = tpu.memref_squeeze %parallel_loop3A_321 : memref<1x2064xf32, #tpu.memory_space<vmem>> -> memref<2064xf32, #tpu.memory_space<vmem>>
        %parallel_loop3A_323 = tpu.vector_load_idx %parallel_loop3A_322[%parallel_loop3A_308] : memref<2064xf32, #tpu.memory_space<vmem>>[vector<16xi32>], vector<16xf32>,
        %parallel_loop3A_324 = arith.constant 3 : i32
        %parallel_loop3A_325 = arith.constant 0 : i32
        %parallel_loop3A_326 = tpu.memref_slice %arg10[%parallel_loop3A_324, %parallel_loop3A_325] : memref<4x2064xf32, #tpu.memory_space<vmem>> -> memref<1x2064xf32, #tpu.memory_space<vmem>>
        %parallel_loop3A_327 = tpu.memref_squeeze %parallel_loop3A_326 : memref<1x2064xf32, #tpu.memory_space<vmem>> -> memref<2064xf32, #tpu.memory_space<vmem>>
        %parallel_loop3A_328 = tpu.vector_load_idx %parallel_loop3A_327[%parallel_loop3A_308] : memref<2064xf32, #tpu.memory_space<vmem>>[vector<16xi32>], vector<16xf32>,
        %parallel_loop3A_329 = vector.broadcast %parallel_loop3A_290 : i32 to vector<16xi32>
        %parallel_loop3A_330 = tpu.vector_load_idx %arg7[%iota3A, %parallel_loop3A_329] : memref<16x257xf32, #tpu.memory_space<vmem>>[vector<16xi32>, vector<16xi32>], vector<16xf32>,
        %parallel_loop3A_331 = arith.constant 1.000000e+00 : f32
        %parallel_loop3A_332 = vector.broadcast %parallel_loop3A_331 : f32 to vector<16xf32>
        %parallel_loop3A_333 = arith.addf %parallel_loop3A_330, %parallel_loop3A_332 : vector<16xf32>
        %parallel_loop3A_334 = arith.constant 6.400000e+01 : f32
        %parallel_loop3A_335 = vector.broadcast %parallel_loop3A_334 : f32 to vector<16xf32>
        %parallel_loop3A_336 = arith.mulf %parallel_loop3A_333, %parallel_loop3A_335 : vector<16xf32>
        %parallel_loop3A_337 = arith.fptosi %parallel_loop3A_336 : vector<16xf32> to vector<16xi32>
        %parallel_loop3A_338 = arith.constant 127 : i32
        %parallel_loop3A_339 = vector.broadcast %parallel_loop3A_338 : i32 to vector<16xi32>
        %parallel_loop3A_340 = arith.minsi %parallel_loop3A_337, %parallel_loop3A_339 : vector<16xi32>
        %parallel_loop3A_341 = arith.constant 0 : i32
        %parallel_loop3A_342 = vector.broadcast %parallel_loop3A_341 : i32 to vector<16xi32>
        %parallel_loop3A_343 = arith.maxsi %parallel_loop3A_340, %parallel_loop3A_342 : vector<16xi32>
        %parallel_loop3A_344 = arith.sitofp %parallel_loop3A_343 : vector<16xi32> to vector<16xf32>
        %parallel_loop3A_345 = arith.subf %parallel_loop3A_336, %parallel_loop3A_344 : vector<16xf32>
        %parallel_loop3A_346 = arith.constant 2.000000e+00 : f32
        %parallel_loop3A_347 = vector.broadcast %parallel_loop3A_346 : f32 to vector<16xf32>
        %parallel_loop3A_348 = arith.mulf %parallel_loop3A_347, %parallel_loop3A_345 : vector<16xf32>
        %parallel_loop3A_349 = arith.constant 1.000000e+00 : f32
        %parallel_loop3A_350 = vector.broadcast %parallel_loop3A_349 : f32 to vector<16xf32>
        %parallel_loop3A_351 = arith.subf %parallel_loop3A_348, %parallel_loop3A_350 : vector<16xf32>
        %parallel_loop3A_352 = arith.mulf %parallel_loop3A_328, %parallel_loop3A_351 : vector<16xf32>
        %parallel_loop3A_353 = arith.addf %parallel_loop3A_352, %parallel_loop3A_323 : vector<16xf32>
        %parallel_loop3A_354 = arith.mulf %parallel_loop3A_353, %parallel_loop3A_351 : vector<16xf32>
        %parallel_loop3A_355 = arith.addf %parallel_loop3A_354, %parallel_loop3A_318 : vector<16xf32>
        %parallel_loop3A_356 = arith.mulf %parallel_loop3A_355, %parallel_loop3A_351 : vector<16xf32>
        %parallel_loop3A_357 = arith.addf %parallel_loop3A_356, %parallel_loop3A_313 : vector<16xf32>
        tpu.vector_store_idx %arg11[%iota3A, %parallel_loop3A_329], %parallel_loop3A_357 : memref<16x257xf32, #tpu.memory_space<vmem>>[vector<16xi32>, vector<16xi32>], vector<16xf32>,
      } {sc.loop_unroll_factor = 2 : i64, sc.parallel_access}
      %mul3A_165 = arith.constant 32 : i32
      %mul3A_166 = arith.muli %mul3A_84, %mul3A_165 : i32
      %add3A_167 = arith.addi %mul3A_166, %add3A : i32
      %jit3A_168 = arith.constant 16 : i32
      %div3A_169 = arith.divsi %add3A_167, %jit3A_168 : i32
      %sign3A_170 = arith.constant 0 : i32
      %sign3A_171 = arith.cmpi sgt, %add3A_167, %sign3A_170 : i32
      %sign3A_172 = arith.extui %sign3A_171 : i1 to i32
      %sign3A_173 = arith.constant 0 : i32
      %sign3A_174 = arith.cmpi slt, %add3A_167, %sign3A_173 : i32
      %sign3A_175 = arith.extui %sign3A_174 : i1 to i32
      %sign3A_176 = arith.subi %sign3A_172, %sign3A_175 : i32
      %sign3A_177 = arith.constant 0 : i32
      %sign3A_178 = arith.cmpi sgt, %jit3A_168, %sign3A_177 : i32
      %sign3A_179 = arith.extui %sign3A_178 : i1 to i32
      %sign3A_180 = arith.constant 0 : i32
      %sign3A_181 = arith.cmpi slt, %jit3A_168, %sign3A_180 : i32
      %sign3A_182 = arith.extui %sign3A_181 : i1 to i32
      %sign3A_183 = arith.subi %sign3A_179, %sign3A_182 : i32
      %ne3A_184 = arith.cmpi ne, %sign3A_176, %sign3A_183 : i32
      %rem3A_185 = arith.remsi %add3A_167, %jit3A_168 : i32
      %ne3A_186 = arith.constant 0 : i32
      %ne3A_187 = arith.cmpi ne, %rem3A_185, %ne3A_186 : i32
      %and3A_188 = arith.andi %ne3A_184, %ne3A_187 : i1
      %sub3A_189 = arith.constant 1 : i32
      %sub3A_190 = arith.subi %div3A_169, %sub3A_189 : i32
      %select_n3A_191 = arith.select %and3A_188, %sub3A_190, %div3A_169 : i32
      %mul3A_192 = arith.constant 16 : i32
      %mul3A_193 = arith.muli %select_n3A_191, %mul3A_192 : i32
      %sub3A_194 = arith.subi %add3A_167, %mul3A_193 : i32
      %mul3A_195 = arith.constant 256 : i32
      %mul3A_196 = arith.muli %sub3A_194, %mul3A_195 : i32
      %dma_start3A_197 = arith.constant 0 : i32
      %dma_start3A_198 = arith.constant 0 : i32
      %dma_start3A_199 = tpu.memref_slice %arg11[%dma_start3A_197, %dma_start3A_198] : memref<16x257xf32, #tpu.memory_space<vmem>> -> memref<16x256xf32, #tpu.memory_space<vmem>>
      %dma_start3A_200 = arith.constant 0 : i32
      %dma_start3A_201 = tpu.memref_slice %arg4[%select_n3A_191, %dma_start3A_200, %mul3A_196] : memref<64x16x4096xf32, #tpu.memory_space<hbm>> -> memref<1x16x256xf32, #tpu.memory_space<hbm>>
      %dma_start3A_202 = tpu.memref_squeeze %dma_start3A_201 : memref<1x16x256xf32, #tpu.memory_space<hbm>> -> memref<16x256xf32, #tpu.memory_space<hbm>>
      %dma_start3A_203 = arith.constant 0 : i32
      %dma_start3A_204 = tpu.memref_slice %arg4[%select_n3A_191, %dma_start3A_203, %mul3A_196] : memref<64x16x4096xf32, #tpu.memory_space<hbm>> -> memref<1x16x256xf32, #tpu.memory_space<hbm>>
      %dma_start3A_205 = tpu.memref_squeeze %dma_start3A_204 : memref<1x16x256xf32, #tpu.memory_space<hbm>> -> memref<16x256xf32, #tpu.memory_space<hbm>>
      %dma_start3A_206 = arith.constant 0 : i32
      %dma_start3A_207 = arith.constant 0 : i32
      %dma_start3A_208 = tpu.memref_slice %arg11[%dma_start3A_206, %dma_start3A_207] : memref<16x257xf32, #tpu.memory_space<vmem>> -> memref<16x256xf32, #tpu.memory_space<vmem>>
      tpu.enqueue_dma source(%dma_start3A_208 : memref<16x256xf32, #tpu.memory_space<vmem>>) target(%dma_start3A_205 : memref<16x256xf32, #tpu.memory_space<hbm>>) target_semaphore(%arg15 : memref<!tpu.dma_semaphore, #tpu.memory_space<semaphore_mem>>)
      %lt3A = arith.constant 15 : i32
      %lt3A_209 = arith.cmpi slt, %scan3A_82, %lt3A : i32
      %convert_element_type3A_210 = arith.extui %lt3A_209 : i1 to i32
      %cond3A_211 = arith.constant 0 : i32
      %cond3A_212 = arith.cmpi ne, %convert_element_type3A_210, %cond3A_211 : i32
      scf.if %cond3A_212 {
        %add3A_290 = arith.constant 2 : i32
        %add3A_291 = arith.addi %mul3A_84, %add3A_290 : i32
        %mul3A_292 = arith.constant 32 : i32
        %mul3A_293 = arith.muli %add3A_291, %mul3A_292 : i32
        %add3A_294 = arith.addi %mul3A_293, %add3A : i32
        %jit3A_295 = arith.constant 16 : i32
        %div3A_296 = arith.divsi %add3A_294, %jit3A_295 : i32
        %sign3A_297 = arith.constant 0 : i32
        %sign3A_298 = arith.cmpi sgt, %add3A_294, %sign3A_297 : i32
        %sign3A_299 = arith.extui %sign3A_298 : i1 to i32
        %sign3A_300 = arith.constant 0 : i32
        %sign3A_301 = arith.cmpi slt, %add3A_294, %sign3A_300 : i32
        %sign3A_302 = arith.extui %sign3A_301 : i1 to i32
        %sign3A_303 = arith.subi %sign3A_299, %sign3A_302 : i32
        %sign3A_304 = arith.constant 0 : i32
        %sign3A_305 = arith.cmpi sgt, %jit3A_295, %sign3A_304 : i32
        %sign3A_306 = arith.extui %sign3A_305 : i1 to i32
        %sign3A_307 = arith.constant 0 : i32
        %sign3A_308 = arith.cmpi slt, %jit3A_295, %sign3A_307 : i32
        %sign3A_309 = arith.extui %sign3A_308 : i1 to i32
        %sign3A_310 = arith.subi %sign3A_306, %sign3A_309 : i32
        %ne3A_311 = arith.cmpi ne, %sign3A_303, %sign3A_310 : i32
        %rem3A_312 = arith.remsi %add3A_294, %jit3A_295 : i32
        %ne3A_313 = arith.constant 0 : i32
        %ne3A_314 = arith.cmpi ne, %rem3A_312, %ne3A_313 : i32
        %and3A_315 = arith.andi %ne3A_311, %ne3A_314 : i1
        %sub3A_316 = arith.constant 1 : i32
        %sub3A_317 = arith.subi %div3A_296, %sub3A_316 : i32
        %select_n3A_318 = arith.select %and3A_315, %sub3A_317, %div3A_296 : i32
        %mul3A_319 = arith.constant 16 : i32
        %mul3A_320 = arith.muli %select_n3A_318, %mul3A_319 : i32
        %sub3A_321 = arith.subi %add3A_294, %mul3A_320 : i32
        %mul3A_322 = arith.constant 256 : i32
        %mul3A_323 = arith.muli %sub3A_321, %mul3A_322 : i32
        %dma_start3A_324 = arith.constant 0 : i32
        %dma_start3A_325 = tpu.memref_slice %arg2[%select_n3A_318, %sub3A_321, %dma_start3A_324] : memref<64x16x4096xf32, #tpu.memory_space<hbm>> -> memref<1x1x4096xf32, #tpu.memory_space<hbm>>
        %dma_start3A_326 = tpu.memref_squeeze %dma_start3A_325 : memref<1x1x4096xf32, #tpu.memory_space<hbm>> -> memref<4096xf32, #tpu.memory_space<hbm>>
        %dma_start3A_327 = arith.constant 0 : i32
        %dma_start3A_328 = tpu.memref_slice %arg2[%select_n3A_318, %sub3A_321, %dma_start3A_327] : memref<64x16x4096xf32, #tpu.memory_space<hbm>> -> memref<1x1x4096xf32, #tpu.memory_space<hbm>>
        %dma_start3A_329 = tpu.memref_squeeze %dma_start3A_328 : memref<1x1x4096xf32, #tpu.memory_space<hbm>> -> memref<4096xf32, #tpu.memory_space<hbm>>
        tpu.enqueue_dma source(%dma_start3A_329 : memref<4096xf32, #tpu.memory_space<hbm>>) target(%arg5 : memref<4096xf32, #tpu.memory_space<vmem>>) target_semaphore(%arg13 : memref<!tpu.dma_semaphore, #tpu.memory_space<semaphore_mem>>)
        %dma_start3A_330 = arith.constant 0 : i32
        %dma_start3A_331 = arith.constant 0 : i32
        %dma_start3A_332 = tpu.memref_slice %arg7[%dma_start3A_330, %dma_start3A_331] : memref<16x257xf32, #tpu.memory_space<vmem>> -> memref<16x256xf32, #tpu.memory_space<vmem>>
        %dma_start3A_333 = arith.constant 0 : i32
        %dma_start3A_334 = tpu.memref_slice %arg2[%select_n3A_318, %dma_start3A_333, %mul3A_323] : memref<64x16x4096xf32, #tpu.memory_space<hbm>> -> memref<1x16x256xf32, #tpu.memory_space<hbm>>
        %dma_start3A_335 = tpu.memref_squeeze %dma_start3A_334 : memref<1x16x256xf32, #tpu.memory_space<hbm>> -> memref<16x256xf32, #tpu.memory_space<hbm>>
        %dma_start3A_336 = arith.constant 0 : i32
        %dma_start3A_337 = arith.constant 0 : i32
        %dma_start3A_338 = tpu.memref_slice %arg7[%dma_start3A_336, %dma_start3A_337] : memref<16x257xf32, #tpu.memory_space<vmem>> -> memref<16x256xf32, #tpu.memory_space<vmem>>
        %dma_start3A_339 = arith.constant 0 : i32
        %dma_start3A_340 = tpu.memref_slice %arg2[%select_n3A_318, %dma_start3A_339, %mul3A_323] : memref<64x16x4096xf32, #tpu.memory_space<hbm>> -> memref<1x16x256xf32, #tpu.memory_space<hbm>>
        %dma_start3A_341 = tpu.memref_squeeze %dma_start3A_340 : memref<1x16x256xf32, #tpu.memory_space<hbm>> -> memref<16x256xf32, #tpu.memory_space<hbm>>
        tpu.enqueue_dma source(%dma_start3A_341 : memref<16x256xf32, #tpu.memory_space<hbm>>) target(%dma_start3A_338 : memref<16x256xf32, #tpu.memory_space<vmem>>) target_semaphore(%arg13 : memref<!tpu.dma_semaphore, #tpu.memory_space<semaphore_mem>>)
      } else {
      }
      %dma_wait3A_213 = arith.constant 0 : i32
      %dma_wait3A_214 = arith.constant 0 : i32
      %dma_wait3A_215 = arith.constant 0 : i32
      %dma_wait3A_216 = tpu.memref_slice %arg2[%dma_wait3A_213, %dma_wait3A_214, %dma_wait3A_215] : memref<64x16x4096xf32, #tpu.memory_space<hbm>> -> memref<1x1x4096xf32, #tpu.memory_space<hbm>>
      %dma_wait3A_217 = tpu.memref_squeeze %dma_wait3A_216 : memref<1x1x4096xf32, #tpu.memory_space<hbm>> -> memref<4096xf32, #tpu.memory_space<hbm>>
      %dma_wait3A_218 = arith.constant 0 : i32
      %dma_wait3A_219 = tpu.memref_slice %arg2[%dma_wait3A_213, %dma_wait3A_214, %dma_wait3A_218] : memref<64x16x4096xf32, #tpu.memory_space<hbm>> -> memref<1x1x4096xf32, #tpu.memory_space<hbm>>
      %dma_wait3A_220 = tpu.memref_squeeze %dma_wait3A_219 : memref<1x1x4096xf32, #tpu.memory_space<hbm>> -> memref<4096xf32, #tpu.memory_space<hbm>>
      tpu.wait_dma2 semaphore(%arg14 : memref<!tpu.dma_semaphore, #tpu.memory_space<semaphore_mem>>) src(%dma_wait3A_220 : memref<4096xf32, #tpu.memory_space<hbm>>) dst(%arg6 : memref<4096xf32, #tpu.memory_space<vmem>>)
      %dma_wait3A_221 = arith.constant 0 : i32
      %dma_wait3A_222 = arith.constant 0 : i32
      %dma_wait3A_223 = arith.constant 0 : i32
      %dma_wait3A_224 = tpu.memref_slice %arg8[%dma_wait3A_222, %dma_wait3A_223] : memref<16x257xf32, #tpu.memory_space<vmem>> -> memref<16x256xf32, #tpu.memory_space<vmem>>
      %dma_wait3A_225 = arith.constant 0 : i32
      %dma_wait3A_226 = arith.constant 0 : i32
      %dma_wait3A_227 = tpu.memref_slice %arg2[%dma_wait3A_221, %dma_wait3A_225, %dma_wait3A_226] : memref<64x16x4096xf32, #tpu.memory_space<hbm>> -> memref<1x16x256xf32, #tpu.memory_space<hbm>>
      %dma_wait3A_228 = tpu.memref_squeeze %dma_wait3A_227 : memref<1x16x256xf32, #tpu.memory_space<hbm>> -> memref<16x256xf32, #tpu.memory_space<hbm>>
      %dma_wait3A_229 = arith.constant 0 : i32
      %dma_wait3A_230 = arith.constant 0 : i32
      %dma_wait3A_231 = tpu.memref_slice %arg8[%dma_wait3A_229, %dma_wait3A_230] : memref<16x257xf32, #tpu.memory_space<vmem>> -> memref<16x256xf32, #tpu.memory_space<vmem>>
      %dma_wait3A_232 = arith.constant 0 : i32
      %dma_wait3A_233 = arith.constant 0 : i32
      %dma_wait3A_234 = tpu.memref_slice %arg2[%dma_wait3A_221, %dma_wait3A_232, %dma_wait3A_233] : memref<64x16x4096xf32, #tpu.memory_space<hbm>> -> memref<1x16x256xf32, #tpu.memory_space<hbm>>
      %dma_wait3A_235 = tpu.memref_squeeze %dma_wait3A_234 : memref<1x16x256xf32, #tpu.memory_space<hbm>> -> memref<16x256xf32, #tpu.memory_space<hbm>>
      tpu.wait_dma2 semaphore(%arg14 : memref<!tpu.dma_semaphore, #tpu.memory_space<semaphore_mem>>) src(%dma_wait3A_235 : memref<16x256xf32, #tpu.memory_space<hbm>>) dst(%dma_wait3A_231 : memref<16x256xf32, #tpu.memory_space<vmem>>)
      %ge3A_236 = arith.constant 1 : i32
      %ge3A_237 = arith.cmpi sge, %scan3A_82, %ge3A_236 : i32
      %convert_element_type3A_238 = arith.extui %ge3A_237 : i1 to i32
      %cond3A_239 = arith.constant 0 : i32
      %cond3A_240 = arith.cmpi ne, %convert_element_type3A_238, %cond3A_239 : i32
      scf.if %cond3A_240 {
        %dma_wait3A_290 = arith.constant 0 : i32
        %dma_wait3A_291 = arith.constant 0 : i32
        %dma_wait3A_292 = arith.constant 0 : i32
        %dma_wait3A_293 = tpu.memref_slice %arg12[%dma_wait3A_291, %dma_wait3A_292] : memref<16x257xf32, #tpu.memory_space<vmem>> -> memref<16x256xf32, #tpu.memory_space<vmem>>
        %dma_wait3A_294 = arith.constant 0 : i32
        %dma_wait3A_295 = arith.constant 0 : i32
        %dma_wait3A_296 = tpu.memref_slice %arg4[%dma_wait3A_290, %dma_wait3A_294, %dma_wait3A_295] : memref<64x16x4096xf32, #tpu.memory_space<hbm>> -> memref<1x16x256xf32, #tpu.memory_space<hbm>>
        %dma_wait3A_297 = tpu.memref_squeeze %dma_wait3A_296 : memref<1x16x256xf32, #tpu.memory_space<hbm>> -> memref<16x256xf32, #tpu.memory_space<hbm>>
        %dma_wait3A_298 = arith.constant 0 : i32
        %dma_wait3A_299 = arith.constant 0 : i32
        %dma_wait3A_300 = tpu.memref_slice %arg4[%dma_wait3A_290, %dma_wait3A_298, %dma_wait3A_299] : memref<64x16x4096xf32, #tpu.memory_space<hbm>> -> memref<1x16x256xf32, #tpu.memory_space<hbm>>
        %dma_wait3A_301 = tpu.memref_squeeze %dma_wait3A_300 : memref<1x16x256xf32, #tpu.memory_space<hbm>> -> memref<16x256xf32, #tpu.memory_space<hbm>>
        %dma_wait3A_302 = arith.constant 0 : i32
        %dma_wait3A_303 = arith.constant 0 : i32
        %dma_wait3A_304 = tpu.memref_slice %arg12[%dma_wait3A_302, %dma_wait3A_303] : memref<16x257xf32, #tpu.memory_space<vmem>> -> memref<16x256xf32, #tpu.memory_space<vmem>>
        tpu.wait_dma2 semaphore(%arg16 : memref<!tpu.dma_semaphore, #tpu.memory_space<semaphore_mem>>) src(%dma_wait3A_304 : memref<16x256xf32, #tpu.memory_space<vmem>>) dst(%dma_wait3A_301 : memref<16x256xf32, #tpu.memory_space<hbm>>)
      } else {
      }
      %parallel_loop3A_241 = arith.constant 0 : i32
      %parallel_loop3A_242 = arith.constant 256 : i32
      %parallel_loop3A_243 = arith.constant 1 : i32
      scf.for %parallel_loop3A_290 = %parallel_loop3A_241 to %parallel_loop3A_242 step %parallel_loop3A_243  : i32 {
        %parallel_loop3A_291 = arith.constant 16 : i32
        %parallel_loop3A_292 = arith.muli %parallel_loop3A_290, %parallel_loop3A_291 : i32
        %parallel_loop3A_293 = arith.index_cast %parallel_loop3A_292 : i32 to index
        %parallel_loop3A_294 = tpu.vector_load %arg6[%parallel_loop3A_293] {strides = array<i32>} : memref<4096xf32, #tpu.memory_space<vmem>>, vector<16xf32>,
        %parallel_loop3A_295 = arith.constant 1.000000e+00 : f32
        %parallel_loop3A_296 = vector.broadcast %parallel_loop3A_295 : f32 to vector<16xf32>
        %parallel_loop3A_297 = arith.addf %parallel_loop3A_294, %parallel_loop3A_296 : vector<16xf32>
        %parallel_loop3A_298 = arith.constant 6.400000e+01 : f32
        %parallel_loop3A_299 = vector.broadcast %parallel_loop3A_298 : f32 to vector<16xf32>
        %parallel_loop3A_300 = arith.mulf %parallel_loop3A_297, %parallel_loop3A_299 : vector<16xf32>
        %parallel_loop3A_301 = arith.fptosi %parallel_loop3A_300 : vector<16xf32> to vector<16xi32>
        %parallel_loop3A_302 = arith.constant 127 : i32
        %parallel_loop3A_303 = vector.broadcast %parallel_loop3A_302 : i32 to vector<16xi32>
        %parallel_loop3A_304 = arith.minsi %parallel_loop3A_301, %parallel_loop3A_303 : vector<16xi32>
        %parallel_loop3A_305 = arith.constant 0 : i32
        %parallel_loop3A_306 = vector.broadcast %parallel_loop3A_305 : i32 to vector<16xi32>
        %parallel_loop3A_307 = arith.maxsi %parallel_loop3A_304, %parallel_loop3A_306 : vector<16xi32>
        %parallel_loop3A_308 = arith.addi %mul3A_6, %parallel_loop3A_307 : vector<16xi32>
        %parallel_loop3A_309 = arith.constant 0 : i32
        %parallel_loop3A_310 = arith.constant 0 : i32
        %parallel_loop3A_311 = tpu.memref_slice %arg10[%parallel_loop3A_309, %parallel_loop3A_310] : memref<4x2064xf32, #tpu.memory_space<vmem>> -> memref<1x2064xf32, #tpu.memory_space<vmem>>
        %parallel_loop3A_312 = tpu.memref_squeeze %parallel_loop3A_311 : memref<1x2064xf32, #tpu.memory_space<vmem>> -> memref<2064xf32, #tpu.memory_space<vmem>>
        %parallel_loop3A_313 = tpu.vector_load_idx %parallel_loop3A_312[%parallel_loop3A_308] : memref<2064xf32, #tpu.memory_space<vmem>>[vector<16xi32>], vector<16xf32>,
        %parallel_loop3A_314 = arith.constant 1 : i32
        %parallel_loop3A_315 = arith.constant 0 : i32
        %parallel_loop3A_316 = tpu.memref_slice %arg10[%parallel_loop3A_314, %parallel_loop3A_315] : memref<4x2064xf32, #tpu.memory_space<vmem>> -> memref<1x2064xf32, #tpu.memory_space<vmem>>
        %parallel_loop3A_317 = tpu.memref_squeeze %parallel_loop3A_316 : memref<1x2064xf32, #tpu.memory_space<vmem>> -> memref<2064xf32, #tpu.memory_space<vmem>>
        %parallel_loop3A_318 = tpu.vector_load_idx %parallel_loop3A_317[%parallel_loop3A_308] : memref<2064xf32, #tpu.memory_space<vmem>>[vector<16xi32>], vector<16xf32>,
        %parallel_loop3A_319 = arith.constant 2 : i32
        %parallel_loop3A_320 = arith.constant 0 : i32
        %parallel_loop3A_321 = tpu.memref_slice %arg10[%parallel_loop3A_319, %parallel_loop3A_320] : memref<4x2064xf32, #tpu.memory_space<vmem>> -> memref<1x2064xf32, #tpu.memory_space<vmem>>
        %parallel_loop3A_322 = tpu.memref_squeeze %parallel_loop3A_321 : memref<1x2064xf32, #tpu.memory_space<vmem>> -> memref<2064xf32, #tpu.memory_space<vmem>>
        %parallel_loop3A_323 = tpu.vector_load_idx %parallel_loop3A_322[%parallel_loop3A_308] : memref<2064xf32, #tpu.memory_space<vmem>>[vector<16xi32>], vector<16xf32>,
        %parallel_loop3A_324 = arith.constant 3 : i32
        %parallel_loop3A_325 = arith.constant 0 : i32
        %parallel_loop3A_326 = tpu.memref_slice %arg10[%parallel_loop3A_324, %parallel_loop3A_325] : memref<4x2064xf32, #tpu.memory_space<vmem>> -> memref<1x2064xf32, #tpu.memory_space<vmem>>
        %parallel_loop3A_327 = tpu.memref_squeeze %parallel_loop3A_326 : memref<1x2064xf32, #tpu.memory_space<vmem>> -> memref<2064xf32, #tpu.memory_space<vmem>>
        %parallel_loop3A_328 = tpu.vector_load_idx %parallel_loop3A_327[%parallel_loop3A_308] : memref<2064xf32, #tpu.memory_space<vmem>>[vector<16xi32>], vector<16xf32>,
        %parallel_loop3A_329 = vector.broadcast %parallel_loop3A_290 : i32 to vector<16xi32>
        %parallel_loop3A_330 = tpu.vector_load_idx %arg8[%iota3A, %parallel_loop3A_329] : memref<16x257xf32, #tpu.memory_space<vmem>>[vector<16xi32>, vector<16xi32>], vector<16xf32>,
        %parallel_loop3A_331 = arith.constant 1.000000e+00 : f32
        %parallel_loop3A_332 = vector.broadcast %parallel_loop3A_331 : f32 to vector<16xf32>
        %parallel_loop3A_333 = arith.addf %parallel_loop3A_330, %parallel_loop3A_332 : vector<16xf32>
        %parallel_loop3A_334 = arith.constant 6.400000e+01 : f32
        %parallel_loop3A_335 = vector.broadcast %parallel_loop3A_334 : f32 to vector<16xf32>
        %parallel_loop3A_336 = arith.mulf %parallel_loop3A_333, %parallel_loop3A_335 : vector<16xf32>
        %parallel_loop3A_337 = arith.fptosi %parallel_loop3A_336 : vector<16xf32> to vector<16xi32>
        %parallel_loop3A_338 = arith.constant 127 : i32
        %parallel_loop3A_339 = vector.broadcast %parallel_loop3A_338 : i32 to vector<16xi32>
        %parallel_loop3A_340 = arith.minsi %parallel_loop3A_337, %parallel_loop3A_339 : vector<16xi32>
        %parallel_loop3A_341 = arith.constant 0 : i32
        %parallel_loop3A_342 = vector.broadcast %parallel_loop3A_341 : i32 to vector<16xi32>
        %parallel_loop3A_343 = arith.maxsi %parallel_loop3A_340, %parallel_loop3A_342 : vector<16xi32>
        %parallel_loop3A_344 = arith.sitofp %parallel_loop3A_343 : vector<16xi32> to vector<16xf32>
        %parallel_loop3A_345 = arith.subf %parallel_loop3A_336, %parallel_loop3A_344 : vector<16xf32>
        %parallel_loop3A_346 = arith.constant 2.000000e+00 : f32
        %parallel_loop3A_347 = vector.broadcast %parallel_loop3A_346 : f32 to vector<16xf32>
        %parallel_loop3A_348 = arith.mulf %parallel_loop3A_347, %parallel_loop3A_345 : vector<16xf32>
        %parallel_loop3A_349 = arith.constant 1.000000e+00 : f32
        %parallel_loop3A_350 = vector.broadcast %parallel_loop3A_349 : f32 to vector<16xf32>
        %parallel_loop3A_351 = arith.subf %parallel_loop3A_348, %parallel_loop3A_350 : vector<16xf32>
        %parallel_loop3A_352 = arith.mulf %parallel_loop3A_328, %parallel_loop3A_351 : vector<16xf32>
        %parallel_loop3A_353 = arith.addf %parallel_loop3A_352, %parallel_loop3A_323 : vector<16xf32>
        %parallel_loop3A_354 = arith.mulf %parallel_loop3A_353, %parallel_loop3A_351 : vector<16xf32>
        %parallel_loop3A_355 = arith.addf %parallel_loop3A_354, %parallel_loop3A_318 : vector<16xf32>
        %parallel_loop3A_356 = arith.mulf %parallel_loop3A_355, %parallel_loop3A_351 : vector<16xf32>
        %parallel_loop3A_357 = arith.addf %parallel_loop3A_356, %parallel_loop3A_313 : vector<16xf32>
        tpu.vector_store_idx %arg12[%iota3A, %parallel_loop3A_329], %parallel_loop3A_357 : memref<16x257xf32, #tpu.memory_space<vmem>>[vector<16xi32>, vector<16xi32>], vector<16xf32>,
      } {sc.loop_unroll_factor = 2 : i64, sc.parallel_access}
      %add3A_244 = arith.constant 1 : i32
      %add3A_245 = arith.addi %mul3A_84, %add3A_244 : i32
      %mul3A_246 = arith.constant 32 : i32
      %mul3A_247 = arith.muli %add3A_245, %mul3A_246 : i32
      %add3A_248 = arith.addi %mul3A_247, %add3A : i32
      %jit3A_249 = arith.constant 16 : i32
      %div3A_250 = arith.divsi %add3A_248, %jit3A_249 : i32
      %sign3A_251 = arith.constant 0 : i32
      %sign3A_252 = arith.cmpi sgt, %add3A_248, %sign3A_251 : i32
      %sign3A_253 = arith.extui %sign3A_252 : i1 to i32
      %sign3A_254 = arith.constant 0 : i32
      %sign3A_255 = arith.cmpi slt, %add3A_248, %sign3A_254 : i32
      %sign3A_256 = arith.extui %sign3A_255 : i1 to i32
      %sign3A_257 = arith.subi %sign3A_253, %sign3A_256 : i32
      %sign3A_258 = arith.constant 0 : i32
      %sign3A_259 = arith.cmpi sgt, %jit3A_249, %sign3A_258 : i32
      %sign3A_260 = arith.extui %sign3A_259 : i1 to i32
      %sign3A_261 = arith.constant 0 : i32
      %sign3A_262 = arith.cmpi slt, %jit3A_249, %sign3A_261 : i32
      %sign3A_263 = arith.extui %sign3A_262 : i1 to i32
      %sign3A_264 = arith.subi %sign3A_260, %sign3A_263 : i32
      %ne3A_265 = arith.cmpi ne, %sign3A_257, %sign3A_264 : i32
      %rem3A_266 = arith.remsi %add3A_248, %jit3A_249 : i32
      %ne3A_267 = arith.constant 0 : i32
      %ne3A_268 = arith.cmpi ne, %rem3A_266, %ne3A_267 : i32
      %and3A_269 = arith.andi %ne3A_265, %ne3A_268 : i1
      %sub3A_270 = arith.constant 1 : i32
      %sub3A_271 = arith.subi %div3A_250, %sub3A_270 : i32
      %select_n3A_272 = arith.select %and3A_269, %sub3A_271, %div3A_250 : i32
      %mul3A_273 = arith.constant 16 : i32
      %mul3A_274 = arith.muli %select_n3A_272, %mul3A_273 : i32
      %sub3A_275 = arith.subi %add3A_248, %mul3A_274 : i32
      %mul3A_276 = arith.constant 256 : i32
      %mul3A_277 = arith.muli %sub3A_275, %mul3A_276 : i32
      %dma_start3A_278 = arith.constant 0 : i32
      %dma_start3A_279 = arith.constant 0 : i32
      %dma_start3A_280 = tpu.memref_slice %arg12[%dma_start3A_278, %dma_start3A_279] : memref<16x257xf32, #tpu.memory_space<vmem>> -> memref<16x256xf32, #tpu.memory_space<vmem>>
      %dma_start3A_281 = arith.constant 0 : i32
      %dma_start3A_282 = tpu.memref_slice %arg4[%select_n3A_272, %dma_start3A_281, %mul3A_277] : memref<64x16x4096xf32, #tpu.memory_space<hbm>> -> memref<1x16x256xf32, #tpu.memory_space<hbm>>
      %dma_start3A_283 = tpu.memref_squeeze %dma_start3A_282 : memref<1x16x256xf32, #tpu.memory_space<hbm>> -> memref<16x256xf32, #tpu.memory_space<hbm>>
      %dma_start3A_284 = arith.constant 0 : i32
      %dma_start3A_285 = tpu.memref_slice %arg4[%select_n3A_272, %dma_start3A_284, %mul3A_277] : memref<64x16x4096xf32, #tpu.memory_space<hbm>> -> memref<1x16x256xf32, #tpu.memory_space<hbm>>
      %dma_start3A_286 = tpu.memref_squeeze %dma_start3A_285 : memref<1x16x256xf32, #tpu.memory_space<hbm>> -> memref<16x256xf32, #tpu.memory_space<hbm>>
      %dma_start3A_287 = arith.constant 0 : i32
      %dma_start3A_288 = arith.constant 0 : i32
      %dma_start3A_289 = tpu.memref_slice %arg12[%dma_start3A_287, %dma_start3A_288] : memref<16x257xf32, #tpu.memory_space<vmem>> -> memref<16x256xf32, #tpu.memory_space<vmem>>
      tpu.enqueue_dma source(%dma_start3A_289 : memref<16x256xf32, #tpu.memory_space<vmem>>) target(%dma_start3A_286 : memref<16x256xf32, #tpu.memory_space<hbm>>) target_semaphore(%arg16 : memref<!tpu.dma_semaphore, #tpu.memory_space<semaphore_mem>>)
    }
    %scan3A_52 = arith.constant 16 : i32
    %dma_wait3A = arith.constant 0 : i32
    %dma_wait3A_53 = arith.constant 0 : i32
    %dma_wait3A_54 = arith.constant 0 : i32
    %dma_wait3A_55 = tpu.memref_slice %arg11[%dma_wait3A_53, %dma_wait3A_54] : memref<16x257xf32, #tpu.memory_space<vmem>> -> memref<16x256xf32, #tpu.memory_space<vmem>>
    %dma_wait3A_56 = arith.constant 0 : i32
    %dma_wait3A_57 = arith.constant 0 : i32
    %dma_wait3A_58 = tpu.memref_slice %arg4[%dma_wait3A, %dma_wait3A_56, %dma_wait3A_57] : memref<64x16x4096xf32, #tpu.memory_space<hbm>> -> memref<1x16x256xf32, #tpu.memory_space<hbm>>
    %dma_wait3A_59 = tpu.memref_squeeze %dma_wait3A_58 : memref<1x16x256xf32, #tpu.memory_space<hbm>> -> memref<16x256xf32, #tpu.memory_space<hbm>>
    %dma_wait3A_60 = arith.constant 0 : i32
    %dma_wait3A_61 = arith.constant 0 : i32
    %dma_wait3A_62 = tpu.memref_slice %arg4[%dma_wait3A, %dma_wait3A_60, %dma_wait3A_61] : memref<64x16x4096xf32, #tpu.memory_space<hbm>> -> memref<1x16x256xf32, #tpu.memory_space<hbm>>
    %dma_wait3A_63 = tpu.memref_squeeze %dma_wait3A_62 : memref<1x16x256xf32, #tpu.memory_space<hbm>> -> memref<16x256xf32, #tpu.memory_space<hbm>>
    %dma_wait3A_64 = arith.constant 0 : i32
    %dma_wait3A_65 = arith.constant 0 : i32
    %dma_wait3A_66 = tpu.memref_slice %arg11[%dma_wait3A_64, %dma_wait3A_65] : memref<16x257xf32, #tpu.memory_space<vmem>> -> memref<16x256xf32, #tpu.memory_space<vmem>>
    tpu.wait_dma2 semaphore(%arg15 : memref<!tpu.dma_semaphore, #tpu.memory_space<semaphore_mem>>) src(%dma_wait3A_66 : memref<16x256xf32, #tpu.memory_space<vmem>>) dst(%dma_wait3A_63 : memref<16x256xf32, #tpu.memory_space<hbm>>)
    %dma_wait3A_67 = arith.constant 0 : i32
    %dma_wait3A_68 = arith.constant 0 : i32
    %dma_wait3A_69 = arith.constant 0 : i32
    %dma_wait3A_70 = tpu.memref_slice %arg12[%dma_wait3A_68, %dma_wait3A_69] : memref<16x257xf32, #tpu.memory_space<vmem>> -> memref<16x256xf32, #tpu.memory_space<vmem>>
    %dma_wait3A_71 = arith.constant 0 : i32
    %dma_wait3A_72 = arith.constant 0 : i32
    %dma_wait3A_73 = tpu.memref_slice %arg4[%dma_wait3A_67, %dma_wait3A_71, %dma_wait3A_72] : memref<64x16x4096xf32, #tpu.memory_space<hbm>> -> memref<1x16x256xf32, #tpu.memory_space<hbm>>
    %dma_wait3A_74 = tpu.memref_squeeze %dma_wait3A_73 : memref<1x16x256xf32, #tpu.memory_space<hbm>> -> memref<16x256xf32, #tpu.memory_space<hbm>>
    %dma_wait3A_75 = arith.constant 0 : i32
    %dma_wait3A_76 = arith.constant 0 : i32
    %dma_wait3A_77 = tpu.memref_slice %arg4[%dma_wait3A_67, %dma_wait3A_75, %dma_wait3A_76] : memref<64x16x4096xf32, #tpu.memory_space<hbm>> -> memref<1x16x256xf32, #tpu.memory_space<hbm>>
    %dma_wait3A_78 = tpu.memref_squeeze %dma_wait3A_77 : memref<1x16x256xf32, #tpu.memory_space<hbm>> -> memref<16x256xf32, #tpu.memory_space<hbm>>
    %dma_wait3A_79 = arith.constant 0 : i32
    %dma_wait3A_80 = arith.constant 0 : i32
    %dma_wait3A_81 = tpu.memref_slice %arg12[%dma_wait3A_79, %dma_wait3A_80] : memref<16x257xf32, #tpu.memory_space<vmem>> -> memref<16x256xf32, #tpu.memory_space<vmem>>
    tpu.wait_dma2 semaphore(%arg16 : memref<!tpu.dma_semaphore, #tpu.memory_space<semaphore_mem>>) src(%dma_wait3A_81 : memref<16x256xf32, #tpu.memory_space<vmem>>) dst(%dma_wait3A_78 : memref<16x256xf32, #tpu.memory_space<hbm>>)
    return
  }
}

</mosaic_0001>

<sc_bundles>
// kernel: kernel.3.cloned.1.call-start
scs
__scs_entry_jumppad:
0x0: {  	(pc) =	sbr.rel $0x88, $3  }
0x1: {  	(tag) =	ssettag $0x0;
	lr =	simm.s32 $0x1  }
0x2: {  	[smem:$0x3F9F] =	sst lr;
	_ =	strace $0xD0000000  }
0x3: {  	_ = 	snop  }
0x4: {  	_ = 	snop  }
0x5: {  	_ = 	snop  }
0x6: {  	_ = 	snop  }
0x7: {  	_ = 	snop  }
__scs_overlays_trampoline_lowered:
0x8: {  	[smem:$0x3FAE] =	sst s0  }
0x9: {  	[smem:$0x3FAF] =	sst s1  }
0xa: {  	[smem:$0x3FB0] =	sst s2  }
0xb: {  	[smem:$0x3FB1] =	sst s3  }
0xc: {  	[smem:$0x3FB2] =	sst s4  }
0xd: {  	[smem:$0x3FB3] =	sst s5  }
0xe: {  	[smem:$0x3FB4] =	sst s6  }
0xf: {  	[smem:$0x3FB5] =	sst s7  }
0x10: {  	[smem:$0x3FB6] =	sst s8  }
0x11: {  	[smem:$0x3FB7] =	sst s9;
	s0 =	simm.s32 @!p0 $0x0  }
0x12: {  	s1 =	sld [smem:$0x3F9D];
	s0 =	simm.s32 @p0 $0x1  }
0x13: {  	[smem:$0x3FB8] =	sst s0;
	s0 =	simm.s32 @!p1 $0x0  }
0x14: {  	s2 =	sld [smem:$0x3F9C];
	s0 =	simm.s32 @p1 $0x1  }
0x15: {  	[smem:$0x3FB9] =	sst s0;
	s0 =	simm.s32 @!p2 $0x0  }
0x16: {  	s3 =	sld [smem:$0x3FDB];
	s0 =	simm.s32 @p2 $0x1  }
0x17: {  	s4 =	simm.s32 $0x1BF5;
	[smem:$0x3FBB] =	sst s0  }
0x18: {  	s0 =	sld [smem:$0x3F9E];
	_ =	swait.ge [sflag:s4], $0x0  }
0x19: {  	s7 =	sld [smem:$0x3F9F]  }
0x1a: {  	s8 =	sadd.s32 $0xFFFFE003, lr  }
0x1b: {  	s9 =	sadd.s32 $0xFFFFFEF7, lr;
	s5 =	simm.s32 $0xFFFFFFFF;
	p2 =	slt.u32 s8, $0xFFFFF086  }
0x1c: {  	p1 =	slt.u32 s9, $0xF7A;
	s5 =	simm.s32 @!p2 $0x0  }
0x1d: {  	s5 =	simm.s32 @p1 $0x1;
	p0 =	seq.s32 s7, s2  }
0x1e: {  	s7 =	smul.u32 @!p0 $0xF7A, s2;
	p2 =	seq.s32 @!p0 s5, $0x0  }
0x1f: {  	s9 =	smul.u32 $0xF7A, s1;
	s8 =	simm.s32 @!p0 $0x1BF5;
	p2 =	por !p2, p0  }
0x20: {  	[sflag:s8] =	ssyncset.s32 @!p0 $0xFFFFF086;
	s6 =	sadd.s32 @!p0 s3, s7;
	s7 =	simm.s32 @!p0 $0x108  }
0x21: {  	s3 =	sadd.s32 s3, s9;
	s6 =	sadd.s32 @!p0 $0x88, s6;
	s7 =	simm.s32 @p2 $0x1082  }
0x22: {  	[simem:s7], [sflag:s8] =	dma.local @!p0 [hbm:s6], $0xF7A  }
0x23: {  	s9 =	sor.u32 $0xD0000000, s2;
	s6 =	simm.s32 $0x108;
	_ =	swait.ge @!p0 [sflag:s8], $0x0  }
0x24: {  	s3 =	sadd.s32 $0x88, s3;
	s6 =	simm.s32 @!p1 $0x1082;
	[sflag:s4] =	ssyncset.s32 $0xFFFFF086  }
0x25: {  	[simem:s6], [sflag:s4] =	dma.local [hbm:s3], $0xF7A  }
0x26: {  	[smem:$0x3F9F] =	sst s1;
	(tag) =	ssettag s2;
	_ =	strace s9  }
0x27: {  	s1 =	sld [smem:$0x3FAF]  }
0x28: {  	s2 =	sld [smem:$0x3FB0]  }
0x29: {  	s4 =	sld [smem:$0x3FB2]  }
0x2a: {  	p0 =	seq.s32 s5, $0x0;
	s5 =	sld [smem:$0x3FB3]  }
0x2b: {  	s6 =	sld [smem:$0x3FB4]  }
0x2c: {  	s7 =	sld [smem:$0x3FB5]  }
0x2d: {  	s3 =	simm.s32 $0x108;
	s8 =	sld [smem:$0x3FB6]  }
0x2e: {  	s3 =	simm.s32 @!p0 $0x1082;
	s9 =	sld [smem:$0x3FB7]  }
0x2f: {  	lr =	sadd.s32 s0, s3;
	s0 =	sld [smem:$0x3FAE]  }
0x30: {  	s3 =	sld [smem:$0x3FB1]  }
0x31: {  	[smem:$0x3FBA] =	sst s10  }
0x32: {  	s10 =	sld [smem:$0x3FB8];
	_ =	sdelay $0x3  }
0x33: {  	p0 =	seq.s32 s10, $0x1;
	s10 =	sld [smem:$0x3FBA];
	_ =	sdelay $0x3  }
0x34: {  	[smem:$0x3FBA] =	sst s10  }
0x35: {  	s10 =	sld [smem:$0x3FB9];
	_ =	sdelay $0x3  }
0x36: {  	p1 =	seq.s32 s10, $0x1;
	s10 =	sld [smem:$0x3FBA];
	_ =	sdelay $0x3  }
0x37: {  	[smem:$0x3FBA] =	sst s10  }
0x38: {  	s10 =	sld [smem:$0x3FBB]  }
0x39: {  	_ = 	snop;
	(pc) =	sbr.ind lr, $3  }
0x3a: {  	_ = 	snop  }
0x3b: {  	_ = 	snop  }
0x3c: {  	p2 =	seq.s32 s10, $0x1;
	s10 =	sld [smem:$0x3FBA]  }
0x3d: {  	_ =	shalt  }
0x3e: {  	_ =	shalt  }
0x3f: {  	_ =	shalt  }
0x40: {  	_ =	shalt  }
0x41: {  	_ =	shalt  }
0x42: {  	_ =	shalt  }
0x43: {  	_ =	shalt  }
0x44: {  	_ =	shalt  }
0x45: {  	_ =	shalt  }
0x46: {  	_ =	shalt  }
0x47: {  	_ =	shalt  }
0x48: {  	_ =	shalt  }
0x49: {  	_ =	shalt  }
0x4a: {  	_ =	shalt  }
0x4b: {  	_ =	shalt  }
0x4c: {  	_ =	shalt  }
0x4d: {  	_ =	shalt  }
0x4e: {  	_ =	shalt  }
0x4f: {  	_ =	shalt  }
0x50: {  	_ =	shalt  }
0x51: {  	_ =	shalt  }
0x52: {  	_ =	shalt  }
0x53: {  	_ =	shalt  }
0x54: {  	_ =	shalt  }
0x55: {  	_ =	shalt  }
0x56: {  	_ =	shalt  }
0x57: {  	_ =	shalt  }
0x58: {  	_ =	shalt  }
0x59: {  	_ =	shalt  }
0x5a: {  	_ =	shalt  }
0x5b: {  	_ =	shalt  }
0x5c: {  	_ =	shalt  }
0x5d: {  	_ =	shalt  }
0x5e: {  	_ =	shalt  }
0x5f: {  	_ =	shalt  }
0x60: {  	_ =	shalt  }
0x61: {  	_ =	shalt  }
0x62: {  	_ =	shalt  }
0x63: {  	_ =	shalt  }
0x64: {  	_ =	shalt  }
0x65: {  	_ =	shalt  }
0x66: {  	_ =	shalt  }
0x67: {  	_ =	shalt  }
0x68: {  	_ =	shalt  }
0x69: {  	_ =	shalt  }
0x6a: {  	_ =	shalt  }
0x6b: {  	_ =	shalt  }
0x6c: {  	_ =	shalt  }
0x6d: {  	_ =	shalt  }
0x6e: {  	_ =	shalt  }
0x6f: {  	_ =	shalt  }
0x70: {  	_ =	shalt  }
0x71: {  	_ =	shalt  }
0x72: {  	_ =	shalt  }
0x73: {  	_ =	shalt  }
0x74: {  	_ =	shalt  }
0x75: {  	_ =	shalt  }
0x76: {  	_ =	shalt  }
0x77: {  	_ =	shalt  }
0x78: {  	_ =	shalt  }
0x79: {  	_ =	shalt  }
0x7a: {  	_ =	shalt  }
0x7b: {  	_ =	shalt  }
0x7c: {  	_ =	shalt  }
0x7d: {  	_ =	shalt  }
0x7e: {  	_ =	shalt  }
0x7f: {  	_ =	shalt  }
0x80: {  	_ =	shalt  }
0x81: {  	_ =	shalt  }
0x82: {  	_ =	shalt  }
0x83: {  	_ =	shalt  }
0x84: {  	_ =	shalt  }
0x85: {  	_ =	shalt  }
0x86: {  	_ =	shalt  }
0x87: {  	_ =	shalt  }
.Lfunc_end0:
.L_simem_size_0:
called_computation_lowered:
.L_overlay_start_0:
0x88: {  	s2 =	sld [smem:$0x3FD9]  }
0x89: {  	s3 =	sld [smem:$0x3FFE];
	_ =	sdelay $0x1  }
0x8a: {  	s1 =	srdreg.scid  }
0x8b: {  	s0 =	sand.u32 $0x1, s1  }
0x8c: {  	s17 =	sshll.u32 s0, $0xA;
	s2 =	sadd.s32 s3, s2  }
0x8d: {  	s2 =	sadd.s32 s2, s17  }
0x8e: {  	[smem:$0x3FC6] =	sst s2  }
0x8f: {  	_ = 	snop  }
0x90: {  	s2 =	sld [smem:$0x3FD0];
	(tm) =	ssettm $0x1  }
0x91: {  	s18 =	sld [smem:$0x3FFB];
	_ =	sdelay $0x3  }
0x92: {  	_ =	strace s18  }
0x93: {  	s3 =	sld [smem:$0x3FFC];
	_ =	sdelay $0x3  }
0x94: {  	_ =	strace s3  }
0x95: {  	s3 =	sld [smem:$0x3FFD];
	_ =	sdelay $0x3  }
0x96: {  	_ =	strace s3  }
0x97: {  	_ =	strace $0x8FFFFFFF  }
0x98: {  	s19 =	sld [smem:$0x3FDB];
	_ =	sdelay $0x1  }
0x99: {  	s4 =	simm.s32 $_scs_section_size  }
0x9a: {  	s5 =	simm.s32 $_size__tile_overlayer_lowered;
	s6 =	simm.s32 $_tile_overlayer_lowered  }
0x9b: {  	s22 =	simm.s32 $0x1BFF;
	s21 =	sshll.u32 s6, $0x1;
	s3 =	sadd.s32 s4, s19  }
0x9c: {  	s7 =	simm.s32 $0x0;
	s20 =	sshll.u32 s5, $0x1;
	s5 =	sadd.s32 s21, s3  }
0x9d: {  	[timem:s7], [sflag:s22] =	dma.local [hbm:s5], s20  }
0x9e: {  	_ =	swait.ge [sflag:s22], s20  }
0x9f: {  	s4 =	ssub.s32 $0x0, s20;
	[sflag:s22] =	ssyncset.done $0x0  }
0xa0: {  	[sflag:s22] =	ssyncadd.s32 s4;
	_ =	sdelay $0x1  }
0xa1: {  	s23 =	simm.s32 $0x1B8B  }
0xa2: {  	_ =	swait.ge [sflag:s23], $0x1  }
0xa3: {  	[sflag:s23] =	ssyncset.done $0x0  }
0xa4: {  	s25 =	simm.s32 $0x1B8E;
	s24 =	sld [smem:$0x3FFE];
	[sflag:s23] =	ssyncadd.s32 $0xFFFFFFFF  }
0xa5: {  	s26 =	simm.s32 $execute0_lowered;
	[smem:$0x3FD2] =	sst s25  }
0xa6: {  	s5 =	sshll.u32 s26, $0x1;
	_ =	strace $0x80000046;
	[dreg:$0x1] =	wrdreg $0xFFFFFFFF  }
0xa7: {  	s28 =	simm.s32 $_size_execute0_lowered;
	s3 =	sadd.s32 s3, s5;
	[dreg:$0x0] =	wrdreg $0x0  }
0xa8: {  	s5 =	sshll.u32 s28, $0x1;
	[dreg:$0x2] =	wrdreg s3  }
0xa9: {  	[dreg:$0x3] =	wrdreg s5  }
0xaa: {  	[dreg:$0x4] =	wrdreg $0xC0  }
0xab: {  	_ =	task [dreg:s7], $0x5FFFF  }
0xac: {  	[dreg:$0x1] =	wrdreg $0xFFFFFFFF  }
0xad: {  	[dreg:$0x0] =	wrdreg $0x60  }
0xae: {  	[dreg:$0x2] =	wrdreg s2  }
0xaf: {  	[dreg:$0x3] =	wrdreg s24  }
0xb0: {  	[dreg:$0x4] =	wrdreg $0x9  }
0xb1: {  	_ =	task.clear_ibuf [dreg:s7], $0x5FFFF;
	_ =	strace $0x90000046  }
0xb2: {  	s29 =	simm.s32 $0x9;
	_ =	strace $0x80000048  }
0xb3: {  	_ =	swait.ge [sflag:s29], $0x1  }
0xb4: {  	[sflag:s29] =	ssyncadd.s32 $0xFFFFFFFF  }
0xb5: {  	_ =	strace $0x90000048  }
0xb6: {  	_ =	sfence  }
0xb7: {  	s30 =	sld [smem:$0x0];
	_ =	sdelay $0x2  }
0xb8: {  	s31 =	sshll.u32 s1, $0xD;
	s1 =	sshrl.u32 s1, $0x2  }
0xb9: {  	s3 =	sand.u32 $0x4000, s31;
	s1 =	sadd.s32 s1, s30  }
0xba: {  	s0 =	sor.u32 s3, s0;
	s1 =	sshll.u32 s1, $0x11  }
0xbb: {  	s0 =	sor.u32 s1, s0  }
0xbc: {  	s0 =	sadd.s32 $0x8F2B, s0  }
0xbd: {  	[sflag:s0] =	ssyncadd.remote.s32 $0x1  }
0xbe: {  	_ =	sfence.sel $0xFFFF  }
0xbf: {  	[dreg:$0x0] =	wrdreg $0xFFFFFFFF;
	(pc) =	sbr.abs _section_cstart, $3  }
0xc0: {  	[dreg:$0x1] =	wrdreg $0xFFFFFFFF  }
0xc1: {  	_ =	task.clear_ibuf [dreg:s7], $0x2FFFF;
	_ =	strace $0x9FFFFFFF  }
0xc2: {  	(tm) =	ssettm $0x7FFFFFFF  }
0xc3: {  	_ =	shalt  }
tec
execute0_lowered:
.L_overlay_start_1:
0x0: {  	(tag) =	ssettag $0x1  }
0x1: {  	s1 =	rddreg [dreg:$0x0]  }
0x2: {  	s0 =	rddreg [dreg:$0x1];
	s3 =	simm.s32 $0x0;
	s2 =	srdreg.scid  }
0x3: {  	s10 =	stileid.u32;
	s14 =	simm.s32 $0x4100;
	s16 =	simm.s32 $0x5980  }
0x4: {  	s17 =	simm.s32 $0x6190;
	s18 =	simm.s32 $0x69A0;
	s19 =	simm.s32 $0x71B0  }
0x5: {  	s20 =	simm.s32 $0x2000;
	s29 =	simm.s32 $0x2;
	s30 =	simm.s32 $0x8A40  }
0x6: {  	s31 =	simm.s32 $0x97A8;
	[smem:$0x7FF] =	sst s3;
	s2 =	sand.u32 $0x1, s2  }
0x7: {  	s4 =	sshll.u32 s10, $0x1;
	s7 =	sshrl.u32 s10, $0x3;
	s5 =	sadd.s32 $0x400, s0  }
0x8: {  	s6 =	sadd.s32 $0x800, s0;
	s26 =	sshll.u32 s10, $0xD;
	_ =	strace $0x80000047  }
0x9: {  	[dreg:$0x3] =	wrdreg s5;
	s5 =	sor.u32 s2, s4;
	s8 =	sshll.u32 s7, $0x4  }
0xa: {  	s22 =	ssub.s32 $0x2, s2;
	s7 =	sshll.u32 s7, $0x10;
	s11 =	sor.u32 $0x40, s4  }
0xb: {  	s23 =	ssub.s32 s5, s8;
	s24 =	sshrl.u32 s22, $0x1;
	s28 =	sand.u32 $0xF, s5  }
0xc: {  	s9 =	sshll.u32 s23, $0xC;
	s0 =	ssub.s32 s22, s24;
	s2 =	sshll.u32 s23, $0x8  }
0xd: {  	v1 =	vimm.s32 $0x52741630;
	s10 =	sshll.u32 s28, $0xC;
	s12 =	sshll.u32 s28, $0x8;
	p0 =	sne.s32 s28, $0x0  }
0xe: {  	v0 =	vlaneseq.u32;
	v3 =	vimm.s32 $0x63052741;
	v5 =	vimm.s32 $0x5274163;
	s24 =	simm.s32 $0x1;
	s25 =	sadd.s32 s7, s9;
	s2 =	sadd.s32 s7, s2  }
0xf: {  	v2 =	vunpack.c.l.s4.s8 v1;
	v1 =	vmul.u32 $0x3, v0;
	v4 =	vunpack.c.l.s4.s8 v3;
	s7 =	sand.u32 $0x10000, s26;
	s0 =	smax.u32 s0, $0x1;
	s26 =	simm.s32 $0x79C0  }
0x10: {  	v3 =	vimm.s32 $0x74163052;
	v8 =	vunpack.c.l.s4.s8 v5;
	v9 =	vmul.u32 $0x81, v0;
	s8 =	sshrl.u32 s25, $0x3;
	s2 =	sshrl.u32 s2, $0x3;
	s9 =	sor.u32 $0x20000, s7  }
0x11: {  	v10 =	vmul.u32 $0x108, v0;
	v6 =	vunpack.c.l.s4.s8 v3;
	v2 =	vunpack.c.0.s8.s32 v2;
	[dreg:$0x6] =	wrdreg s0;
	s25 =	simm.s32 $0x3080;
	s8 =	sadd.s32 s1, s8  }
0x12: {  	v3 =	vadd.s32 $0x1, v1;
	v4 =	vunpack.c.0.s8.s32 v4;
	v5 =	vadd.s32 $0x2, v1;
	s0 =	simm.s32 $0x98B0;
	s2 =	sadd.s32 s1, s2;
	[dreg:$0x4] =	wrdreg s8  }
0x13: {  	v7 =	vadd.s32 $0x3, v1;
	v8 =	vunpack.c.0.s8.s32 v8;
	v6 =	vunpack.c.0.s8.s32 v6;
	[dreg:$0x5] =	wrdreg s2;
	s2 =	simm.s32 $0x99B8;
	s8 =	simm.s32 $0x0  }
.LBB2_1:
0x14: {  	s4 =	simm.s32 $0x0  }
0x15: {  	s4 =	smul.u32 $0x180, s4  }
0x16: {  	s7 =	simm.s32 $0x0  }
0x17: {  	v11 =	vmov s7;
	s13 =	ssub.s32 $0x30, s4  }
0x18: {  	s21 =	rddreg [dreg:$0x3];
	v12 =	vmul.u32 $0x188, v11;
	v13 =	vadd.s32 s13, v1  }
0x19: {  	[tilespmem:s14], [sflag:$0x5] =	stream.linear.gather [hbm4b:s21+s3], $0x1880, $0x38;
	v14 =	vadd.s32 s13, v3;
	v13 =	vand.u32 $0xFFFFFFF8, v13;
	[tilespmem:$0x9AC0] =	vst v63  }
0x1a: {  	s4 =	simm.s32 $0x0;
	v14 =	vand.u32 $0xFFFFFFF8, v14;
	v13 =	vadd.s32 v12, v13  }
0x1b: {  	s22 =	sand.u32 $0x6, s4;
	v15 =	vadd.s32 s13, v5;
	v14 =	vadd.s32 v12, v14;
	v13 =	vor.u32 v2, v13  }
0x1c: {  	[dreg:$0x7] =	wrdreg s8;
	s23 =	simm.s32 $0x5;
	s15 =	smul.u32 $0x30, s22;
	v15 =	vand.u32 $0xFFFFFFF8, v15;
	v14 =	vor.u32 v4, v14  }
0x1d: {  	_ =	swait.ge [sflag:s23], $0x1880;
	v16 =	vadd.s32 s13, v7;
	v15 =	vadd.s32 v12, v15  }
0x1e: {  	[sflag:s23] =	ssyncset.done $0x0;
	v16 =	vand.u32 $0xFFFFFFF8, v16;
	v17 =	vadd.s32 s15, v1;
	v15 =	vor.u32 v6, v15  }
0x1f: {  	[sflag:s23] =	ssyncadd.s32 $0xFFFFE780;
	v16 =	vadd.s32 v12, v16;
	v17 =	vand.u32 $0x3F8, v17  }
0x20: {  	v18 =	vadd.s32 s15, v3;
	v16 =	vor.u32 v8, v16;
	v17 =	vadd.s32 v12, v17;
	v13 =	vld.idx.msk [tilespmem:v13+s14+$0x0], $0xffff  }
0x21: {  	v18 =	vand.u32 $0x3F8, v18;
	v17 =	vor.u32 v2, v17;
	v19 =	vld.idx.msk [tilespmem:v14+s14+$0x0], $0xffff  }
0x22: {  	v11 =	vmul.u32 $0x81, v11;
	v14 =	vadd.s32 v12, v18;
	v18 =	vadd.s32 s15, v5  }
0x23: {  	v20 =	vadd.s32 s15, v7;
	v15 =	vld.idx.msk [tilespmem:v15+s14+$0x0], $0xffff;
	v21 =	vor.u32 v4, v14;
	v14 =	vand.u32 $0x3F8, v18  }
0x24: {  	s28 =	simm.s32 $0x10;
	v18 =	vand.u32 $0x3F8, v20;
	v14 =	vadd.s32 v12, v14  }
0x25: {  	s7 =	sshll.u32 s22, $0x4;
	v20 =	vld.idx.msk [tilespmem:v16+s14+$0x0], $0xffff;
	v16 =	vadd.s32 s28, v11;
	v12 =	vadd.s32 v12, v18;
	v18 =	vor.u32 v6, v14  }
0x26: {  	v11 =	vadd.s32 s7, v11;
	v14 =	vld.idx.msk [tilespmem:v17+s14+$0x0], $0xffff;
	v17 =	vmul.f32 $1.666666720e-01, v13;
	v22 =	vmul.f32 $6.666666860e-01, v19  }
0x27: {  	v23 =	vbroadcast v16, $0x0;
	v12 =	vor.u32 v8, v12;
	v19 =	vmul.f32 $1.333333370e+00, v19  }
0x28: {  	v24 =	vmul.f32 $6.666666860e-01, v15;
	v25 =	vmul.f32 $6.666666860e-01, v13;
	v16 =	vld.idx.msk [tilespmem:v21+s14+$0x0], $0xffff;
	v21 =	vsub.f32 v22, v17  }
0x29: {  	v13 =	vadd.s32 v0, v23;
	v26 =	vmul.f32 $1.333333370e+00, v15;
	v23 =	vsub.f32 v17, v19  }
0x2a: {  	v27 =	vmul.f32 $-1.666666720e-01, v20;
	v22 =	vsub.f32 v25, v22;
	v15 =	vld.idx.msk [tilespmem:v18+s14+$0x0], $0xffff;
	v21 =	vadd.f32 v24, v21  }
0x2b: {  	v20 =	vmul.f32 $6.666666860e-01, v20;
	v25 =	vsub.f32 v19, v25;
	v23 =	vadd.f32 v26, v23  }
0x2c: {  	v17 =	vmul.f32 $1.666666720e-01, v14;
	v22 =	vsub.f32 v22, v24;
	v19 =	vadd.f32 v27, v21  }
0x2d: {  	s21 =	simm.s32 $0x10;
	s23 =	simm.s32 $0x2;
	s22 =	simm.s32 $0x30;
	v12 =	vld.idx.msk [tilespmem:v12+s14+$0x0], $0xffff;
	v18 =	vmul.f32 $6.666666860e-01, v16;
	v21 =	vadd.f32 v27, v23;
	v23 =	vsub.f32 v25, v26  }
.LBB2_2:
0x2e: {  	s7 =	sshrl.u32 s23, $0x3;
	v16 =	vmul.f32 $1.333333370e+00, v16;
	v14 =	vmul.f32 $6.666666860e-01, v14;
	[tilespmem:v13+s16+$0x0] =	vst.idx.msk $0xffff, v19;
	v19 =	vadd.f32 v20, v22  }
0x2f: {  	s4 =	sadd.s32 $0x2, s4;
	v24 =	vmul.f32 $6.666666860e-01, v15;
	s13 =	smul.u32 $0x180, s7;
	v22 =	vsub.f32 v18, v17;
	[tilespmem:v13+s17+$0x0] =	vst.idx.msk $0xffff, v21;
	v20 =	vadd.f32 v20, v23  }
0x30: {  	v15 =	vmul.f32 $1.333333370e+00, v15;
	s22 =	sadd.s32 $0x60, s22;
	s15 =	sshrl.u32 s4, $0x3;
	s8 =	sand.u32 $0x6, s4;
	v17 =	vsub.f32 v17, v16;
	v18 =	vsub.f32 v14, v18;
	[tilespmem:v13+s18+$0x0] =	vst.idx.msk $0xffff, v19  }
0x31: {  	v19 =	vmov s15;
	s15 =	smul.u32 $0x30, s8;
	v14 =	vsub.f32 v16, v14;
	s28 =	ssub.s32 s22, s13;
	s13 =	sshll.u32 s8, $0x4;
	v21 =	vadd.f32 v24, v22;
	[tilespmem:v13+s19+$0x0] =	vst.idx.msk $0xffff, v20  }
0x32: {  	p1 =	slt.u32 s4, $0x7E;
	v13 =	vmul.u32 $0x188, v19;
	v16 =	vadd.s32 s28, v1;
	v17 =	vadd.f32 v15, v17  }
0x33: {  	v20 =	vadd.s32 s15, v1;
	v22 =	vadd.s32 s28, v3;
	v16 =	vand.u32 $0xFFFFFFF8, v16  }
0x34: {  	v23 =	vadd.s32 s15, v3;
	v22 =	vand.u32 $0xFFFFFFF8, v22;
	v16 =	vadd.s32 v13, v16  }
0x35: {  	v25 =	vadd.s32 s28, v5;
	v22 =	vadd.s32 v13, v22;
	v16 =	vor.u32 v2, v16  }
0x36: {  	v20 =	vand.u32 $0x3F8, v20;
	v25 =	vand.u32 $0xFFFFFFF8, v25;
	v22 =	vor.u32 v4, v22  }
0x37: {  	v26 =	vadd.s32 s28, v7;
	v23 =	vand.u32 $0x3F8, v23;
	v25 =	vadd.s32 v13, v25  }
0x38: {  	v26 =	vand.u32 $0xFFFFFFF8, v26;
	v20 =	vadd.s32 v13, v20;
	v25 =	vor.u32 v6, v25  }
0x39: {  	v27 =	vadd.s32 s15, v5;
	v23 =	vadd.s32 v13, v23;
	v26 =	vadd.s32 v13, v26  }
0x3a: {  	v20 =	vor.u32 v2, v20;
	v23 =	vor.u32 v4, v23;
	v28 =	vld.idx.msk [tilespmem:v16+s14+$0x0], $0xffff;
	v16 =	vor.u32 v8, v26  }
0x3b: {  	v18 =	vsub.f32 v18, v24;
	v26 =	vand.u32 $0x3F8, v27;
	v27 =	vadd.s32 s15, v7;
	v22 =	vld.idx.msk [tilespmem:v22+s14+$0x0], $0xffff  }
0x3c: {  	v15 =	vsub.f32 v14, v15;
	v24 =	vadd.s32 v13, v26;
	v26 =	vand.u32 $0x3F8, v27  }
0x3d: {  	v14 =	vmul.f32 $-1.666666720e-01, v12;
	v24 =	vor.u32 v6, v24;
	v13 =	vadd.s32 v13, v26;
	v25 =	vld.idx.msk [tilespmem:v25+s14+$0x0], $0xffff  }
0x3e: {  	v11 =	vbroadcast v11, $0x0;
	v12 =	vmul.f32 $6.666666860e-01, v12;
	v13 =	vor.u32 v8, v13  }
0x3f: {  	s21 =	sadd.s32 $0x20, s21;
	s7 =	sshll.u32 s7, $0x7;
	v19 =	vmul.u32 $0x81, v19;
	v21 =	vadd.f32 v14, v21;
	v27 =	vadd.f32 v14, v17;
	v26 =	vld.idx.msk [tilespmem:v16+s14+$0x0], $0xffff  }
0x40: {  	s7 =	ssub.s32 s21, s7;
	v29 =	vadd.s32 v0, v11;
	v18 =	vadd.f32 v12, v18;
	v30 =	vadd.f32 v12, v15;
	v14 =	vld.idx.msk [tilespmem:v20+s14+$0x0], $0xffff  }
0x41: {  	v12 =	vadd.s32 s7, v19;
	v17 =	vmul.f32 $1.666666720e-01, v28;
	v20 =	vmul.f32 $6.666666860e-01, v22;
	v16 =	vld.idx.msk [tilespmem:v23+s14+$0x0], $0xffff  }
0x42: {  	v11 =	vadd.s32 s13, v19;
	v19 =	vbroadcast v12, $0x0;
	v22 =	vmul.f32 $1.333333370e+00, v22;
	v15 =	vld.idx.msk [tilespmem:v24+s14+$0x0], $0xffff  }
0x43: {  	v28 =	vmul.f32 $6.666666860e-01, v28;
	v23 =	vsub.f32 v20, v17;
	v24 =	vmul.f32 $6.666666860e-01, v25;
	v12 =	vld.idx.msk [tilespmem:v13+s14+$0x0], $0xffff  }
.Ltmp0:
0x44: {  	v25 =	vmul.f32 $1.333333370e+00, v25;
	v13 =	vadd.s32 v0, v19;
	v19 =	vsub.f32 v17, v22;
	(pc) =	sbr.rel @p1 .LBB2_2-.Ltmp0, $4  }
0x45: {  	v20 =	vsub.f32 v28, v20;
	v23 =	vadd.f32 v24, v23;
	v31 =	vmul.f32 $-1.666666720e-01, v26;
	[tilespmem:v29+s16+$0x0] =	vst.idx.msk $0xffff, v21  }
0x46: {  	v28 =	vsub.f32 v22, v28;
	v17 =	vmul.f32 $1.666666720e-01, v14;
	v21 =	vadd.f32 v25, v19;
	[tilespmem:v29+s17+$0x0] =	vst.idx.msk $0xffff, v27  }
0x47: {  	v22 =	vsub.f32 v20, v24;
	v20 =	vmul.f32 $6.666666860e-01, v26;
	v19 =	vadd.f32 v31, v23;
	[tilespmem:v29+s18+$0x0] =	vst.idx.msk $0xffff, v18  }
0x48: {  	s23 =	sadd.s32 $0x2, s23;
	v23 =	vsub.f32 v28, v25;
	v18 =	vmul.f32 $6.666666860e-01, v16;
	v21 =	vadd.f32 v31, v21;
	[tilespmem:v29+s19+$0x0] =	vst.idx.msk $0xffff, v30  }
0x49: {  	v16 =	vmul.f32 $1.333333370e+00, v16  }
0x4a: {  	v14 =	vmul.f32 $6.666666860e-01, v14;
	v22 =	vadd.f32 v20, v22;
	v11 =	vbroadcast v11, $0x0  }
0x4b: {  	v51 =	vmul.f32 $6.666666860e-01, v15;
	v53 =	vmul.f32 $1.333333370e+00, v15;
	v24 =	vsub.f32 v18, v17  }
0x4c: {  	v50 =	vadd.f32 v20, v23;
	v52 =	vsub.f32 v17, v16;
	v11 =	vadd.s32 v0, v11  }
0x4d: {  	[tilespmem:v13+s16+$0x0] =	vst.idx.msk $0xffff, v19;
	v56 =	vmul.f32 $-1.666666720e-01, v12;
	v54 =	vsub.f32 v14, v18;
	v55 =	vadd.f32 v51, v24  }
0x4e: {  	[tilespmem:v13+s17+$0x0] =	vst.idx.msk $0xffff, v21;
	v14 =	vsub.f32 v16, v14;
	v57 =	vadd.f32 v53, v52  }
0x4f: {  	v59 =	vmul.f32 $6.666666860e-01, v12;
	[tilespmem:v13+s18+$0x0] =	vst.idx.msk $0xffff, v22;
	v58 =	vsub.f32 v54, v51;
	v60 =	vadd.f32 v56, v55  }
0x50: {  	[tilespmem:v13+s19+$0x0] =	vst.idx.msk $0xffff, v50;
	v61 =	vsub.f32 v14, v53;
	v62 =	vadd.f32 v56, v57  }
0x51: {  	v63 =	vadd.f32 v59, v58;
	[tilespmem:v11+s16+$0x0] =	vst.idx.msk $0xffff, v60  }
0x52: {  	v12 =	vadd.f32 v59, v61;
	[tilespmem:v11+s17+$0x0] =	vst.idx.msk $0xffff, v62  }
0x53: {  	[tilespmem:v11+s18+$0x0] =	vst.idx.msk $0xffff, v63  }
0x54: {  	[tilespmem:v11+s19+$0x0] =	vst.idx.msk $0xffff, v12  }
0x55: {  	s21 =	simm.s32 $0x0;
	s4 =	rddreg [dreg:$0x4]  }
0x56: {  	[tilespmem:s21], [sflag:$0x1] =	stream.linear.gather [hbm4b:s4+s21], $0x1000, $0x38;
	[tilespmem:$0x9AC0] =	vst v63  }
0x57: {  	s7 =	rddreg [dreg:$0x5]  }
0x58: {  	[tilespmem:s20], [sflag:$0x1] =	stream.linear.gather [hbm4b:s7+s21], $0x100, $0x38;
	[tilespmem:$0x9AC0] =	vst v63  }
0x59: {  	s8 =	simm.s32 $0x2108;
	s23 =	sadd.s32 $0x200, s7  }
0x5a: {  	[tilespmem:s8], [sflag:$0x1] =	stream.linear.gather [hbm4b:s23+s21], $0x100, $0x38;
	[tilespmem:$0x9AC0] =	vst v63  }
0x5b: {  	s15 =	simm.s32 $0x2210;
	s13 =	sadd.s32 $0x400, s7  }
0x5c: {  	[tilespmem:s15], [sflag:$0x1] =	stream.linear.gather [hbm4b:s13+s21], $0x100, $0x38;
	[tilespmem:$0x9AC0] =	vst v63  }
0x5d: {  	s22 =	sadd.s32 $0x600, s7;
	s23 =	simm.s32 $0x2318  }
0x5e: {  	[tilespmem:s23], [sflag:$0x1] =	stream.linear.gather [hbm4b:s22+s21], $0x100, $0x38;
	[tilespmem:$0x9AC0] =	vst v63  }
0x5f: {  	s13 =	sadd.s32 $0x800, s7;
	s15 =	simm.s32 $0x2420  }
0x60: {  	[tilespmem:s15], [sflag:$0x1] =	stream.linear.gather [hbm4b:s13+s21], $0x100, $0x38;
	[tilespmem:$0x9AC0] =	vst v63  }
0x61: {  	s22 =	sadd.s32 $0xA00, s7;
	s23 =	simm.s32 $0x2528  }
0x62: {  	[tilespmem:s23], [sflag:$0x1] =	stream.linear.gather [hbm4b:s22+s21], $0x100, $0x38;
	[tilespmem:$0x9AC0] =	vst v63  }
0x63: {  	s13 =	sadd.s32 $0xC00, s7;
	s15 =	simm.s32 $0x2630  }
0x64: {  	[tilespmem:s15], [sflag:$0x1] =	stream.linear.gather [hbm4b:s13+s21], $0x100, $0x38;
	[tilespmem:$0x9AC0] =	vst v63  }
0x65: {  	s22 =	sadd.s32 $0xE00, s7;
	s23 =	simm.s32 $0x2738  }
0x66: {  	[tilespmem:s23], [sflag:$0x1] =	stream.linear.gather [hbm4b:s22+s21], $0x100, $0x38;
	[tilespmem:$0x9AC0] =	vst v63  }
0x67: {  	s13 =	sadd.s32 $0x1000, s7;
	s15 =	simm.s32 $0x2840  }
0x68: {  	[tilespmem:s15], [sflag:$0x1] =	stream.linear.gather [hbm4b:s13+s21], $0x100, $0x38;
	[tilespmem:$0x9AC0] =	vst v63  }
0x69: {  	s22 =	sadd.s32 $0x1200, s7;
	s23 =	simm.s32 $0x2948  }
0x6a: {  	[tilespmem:s23], [sflag:$0x1] =	stream.linear.gather [hbm4b:s22+s21], $0x100, $0x38;
	[tilespmem:$0x9AC0] =	vst v63  }
0x6b: {  	s13 =	sadd.s32 $0x1400, s7;
	s15 =	simm.s32 $0x2A50  }
0x6c: {  	[tilespmem:s15], [sflag:$0x1] =	stream.linear.gather [hbm4b:s13+s21], $0x100, $0x38;
	[tilespmem:$0x9AC0] =	vst v63  }
0x6d: {  	s22 =	sadd.s32 $0x1600, s7;
	s23 =	simm.s32 $0x2B58  }
0x6e: {  	[tilespmem:s23], [sflag:$0x1] =	stream.linear.gather [hbm4b:s22+s21], $0x100, $0x38;
	[tilespmem:$0x9AC0] =	vst v63  }
0x6f: {  	s13 =	sadd.s32 $0x1800, s7;
	s15 =	simm.s32 $0x2C60  }
0x70: {  	[tilespmem:s15], [sflag:$0x1] =	stream.linear.gather [hbm4b:s13+s21], $0x100, $0x38;
	[tilespmem:$0x9AC0] =	vst v63  }
0x71: {  	s22 =	sadd.s32 $0x1A00, s7;
	s23 =	simm.s32 $0x2D68  }
0x72: {  	[tilespmem:s23], [sflag:$0x1] =	stream.linear.gather [hbm4b:s22+s21], $0x100, $0x38;
	[tilespmem:$0x9AC0] =	vst v63  }
0x73: {  	s13 =	sadd.s32 $0x1C00, s7;
	s15 =	simm.s32 $0x2E70  }
0x74: {  	[tilespmem:s15], [sflag:$0x1] =	stream.linear.gather [hbm4b:s13+s21], $0x100, $0x38;
	[tilespmem:$0x9AC0] =	vst v63  }
0x75: {  	s22 =	sadd.s32 $0x1E00, s7;
	s23 =	simm.s32 $0x2F78  }
0x76: {  	[tilespmem:s23], [sflag:$0x1] =	stream.linear.gather [hbm4b:s22+s21], $0x100, $0x38;
	[tilespmem:$0x9AC0] =	vst v63  }
0x77: {  	s28 =	simm.s32 $0x1000;
	s22 =	simm.s32 $0x0  }
.LBB2_4:
0x78: {  	s4 =	sshll.u32 s22, $0x12  }
0x79: {  	s4 =	sor.u32 s9, s4  }
0x7a: {  	s7 =	sor.u32 s10, s4  }
0x7b: {  	s4 =	sor.u32 s12, s4;
	s7 =	sshrl.u32 s7, $0x3  }
0x7c: {  	s23 =	sshrl.u32 s4, $0x3;
	s7 =	sadd.s32 s1, s7  }
0x7d: {  	[tilespmem:s28], [sflag:$0x2] =	stream.linear.gather [hbm4b:s7+s3], $0x1000, $0x38;
	[tilespmem:$0x9AC0] =	vst v63  }
0x7e: {  	s4 =	sadd.s32 s1, s23  }
0x7f: {  	[tilespmem:s25], [sflag:$0x2] =	stream.linear.gather [hbm4b:s4+s3], $0x100, $0x38;
	[tilespmem:$0x9AC0] =	vst v63  }
0x80: {  	s8 =	simm.s32 $0x3188;
	s15 =	sadd.s32 $0x200, s4  }
0x81: {  	[tilespmem:s8], [sflag:$0x2] =	stream.linear.gather [hbm4b:s15+s3], $0x100, $0x38;
	[tilespmem:$0x9AC0] =	vst v63  }
0x82: {  	s13 =	sadd.s32 $0x400, s4;
	s15 =	simm.s32 $0x3290  }
0x83: {  	[tilespmem:s15], [sflag:$0x2] =	stream.linear.gather [hbm4b:s13+s3], $0x100, $0x38;
	[tilespmem:$0x9AC0] =	vst v63  }
0x84: {  	s13 =	sadd.s32 $0x600, s4;
	s15 =	simm.s32 $0x3398  }
0x85: {  	[tilespmem:s15], [sflag:$0x2] =	stream.linear.gather [hbm4b:s13+s3], $0x100, $0x38;
	[tilespmem:$0x9AC0] =	vst v63  }
0x86: {  	s13 =	sadd.s32 $0x800, s4;
	s15 =	simm.s32 $0x34A0  }
0x87: {  	[tilespmem:s15], [sflag:$0x2] =	stream.linear.gather [hbm4b:s13+s3], $0x100, $0x38;
	[tilespmem:$0x9AC0] =	vst v63  }
0x88: {  	s13 =	sadd.s32 $0xA00, s4;
	s15 =	simm.s32 $0x35A8  }
0x89: {  	[tilespmem:s15], [sflag:$0x2] =	stream.linear.gather [hbm4b:s13+s3], $0x100, $0x38;
	[tilespmem:$0x9AC0] =	vst v63  }
0x8a: {  	s13 =	sadd.s32 $0xC00, s4;
	s15 =	simm.s32 $0x36B0  }
0x8b: {  	[tilespmem:s15], [sflag:$0x2] =	stream.linear.gather [hbm4b:s13+s3], $0x100, $0x38;
	[tilespmem:$0x9AC0] =	vst v63  }
0x8c: {  	s13 =	sadd.s32 $0xE00, s4;
	s15 =	simm.s32 $0x37B8  }
0x8d: {  	[tilespmem:s15], [sflag:$0x2] =	stream.linear.gather [hbm4b:s13+s3], $0x100, $0x38;
	[tilespmem:$0x9AC0] =	vst v63  }
0x8e: {  	s13 =	sadd.s32 $0x1000, s4;
	s15 =	simm.s32 $0x38C0  }
0x8f: {  	[tilespmem:s15], [sflag:$0x2] =	stream.linear.gather [hbm4b:s13+s3], $0x100, $0x38;
	[tilespmem:$0x9AC0] =	vst v63  }
0x90: {  	s13 =	sadd.s32 $0x1200, s4;
	s15 =	simm.s32 $0x39C8  }
0x91: {  	[tilespmem:s15], [sflag:$0x2] =	stream.linear.gather [hbm4b:s13+s3], $0x100, $0x38;
	[tilespmem:$0x9AC0] =	vst v63  }
0x92: {  	s13 =	sadd.s32 $0x1400, s4;
	s15 =	simm.s32 $0x3AD0  }
0x93: {  	[tilespmem:s15], [sflag:$0x2] =	stream.linear.gather [hbm4b:s13+s3], $0x100, $0x38;
	[tilespmem:$0x9AC0] =	vst v63  }
0x94: {  	s13 =	sadd.s32 $0x1600, s4;
	s15 =	simm.s32 $0x3BD8  }
0x95: {  	[tilespmem:s15], [sflag:$0x2] =	stream.linear.gather [hbm4b:s13+s3], $0x100, $0x38;
	[tilespmem:$0x9AC0] =	vst v63  }
0x96: {  	s13 =	sadd.s32 $0x1800, s4;
	s15 =	simm.s32 $0x3CE0  }
0x97: {  	[tilespmem:s15], [sflag:$0x2] =	stream.linear.gather [hbm4b:s13+s3], $0x100, $0x38;
	[tilespmem:$0x9AC0] =	vst v63  }
0x98: {  	s13 =	sadd.s32 $0x1A00, s4;
	s15 =	simm.s32 $0x3DE8  }
0x99: {  	[tilespmem:s15], [sflag:$0x2] =	stream.linear.gather [hbm4b:s13+s3], $0x100, $0x38;
	[tilespmem:$0x9AC0] =	vst v63  }
0x9a: {  	s13 =	sadd.s32 $0x1C00, s4;
	s15 =	simm.s32 $0x3EF0  }
0x9b: {  	[tilespmem:s15], [sflag:$0x2] =	stream.linear.gather [hbm4b:s13+s3], $0x100, $0x38;
	[tilespmem:$0x9AC0] =	vst v63  }
0x9c: {  	s4 =	sadd.s32 $0x1E00, s4;
	s13 =	simm.s32 $0x3FF8  }
0x9d: {  	[tilespmem:s13], [sflag:$0x2] =	stream.linear.gather [hbm4b:s4+s3], $0x100, $0x38;
	[tilespmem:$0x9AC0] =	vst v63  }
0x9e: {  	_ =	swait.ge [sflag:s24], $0x1000  }
0x9f: {  	[sflag:s24] =	ssyncset.done $0x0  }
0xa0: {  	[sflag:s24] =	ssyncadd.s32 $0xFFFFF000  }
0xa1: {  	_ =	swait.ge [sflag:s24], $0x1000  }
0xa2: {  	p1 =	seq.s32 s22, $0x0;
	[sflag:s24] =	ssyncset.done $0x0  }
0xa3: {  	s4 =	simm.s32 @!p1 $0x3;
	[sflag:s24] =	ssyncadd.s32 $0xFFFFF000  }
0xa4: {  	s15 =	simm.s32 $0x1;
	_ =	swait.ge @!p1 [sflag:s4], $0x1000  }
0xa5: {  	v11 =	vmov s15;
	[sflag:s4] =	ssyncset.done @!p1 $0x0  }
0xa6: {  	v13 =	vmov s21;
	s8 =	simm.s32 $0x10;
	v11 =	vand.u32 $0xFF, v11;
	[sflag:s4] =	ssyncadd.s32 @!p1 $0xFFFFF000  }
0xa7: {  	v13 =	vand.u32 $0xFE, v13;
	v11 =	vadd.s32 v10, v11;
	v12 =	vld [tilespmem:s8+$0x0]  }
0xa8: {  	v13 =	vadd.s32 v10, v13  }
0xa9: {  	s13 =	simm.s32 $0x30;
	v14 =	vld [tilespmem:s8+$0xFFFFFFF0]  }
0xaa: {  	v16 =	vld [tilespmem:s13+$0x0]  }
0xab: {  	v17 =	vld [tilespmem:s13+$0xFFFFFFF0]  }
0xac: {  	v15 =	vld.idx.msk [tilespmem:v11+s20+$0x0], $0xffff;
	v12 =	vadd.f32 $1.000000000e+00, v12  }
0xad: {  	v19 =	vld.idx.msk [tilespmem:v13+s20+$0x0], $0xffff  }
0xae: {  	v14 =	vadd.f32 $1.000000000e+00, v14;
	v12 =	vmul.f32 $6.400000000e+01, v12  }
0xaf: {  	v16 =	vadd.f32 $1.000000000e+00, v16  }
0xb0: {  	s15 =	simm.s32 $0x3;
	v17 =	vadd.f32 $1.000000000e+00, v17;
	v14 =	vmul.f32 $6.400000000e+01, v14;
	v12 =	vtrunc.f32 v12  }
0xb1: {  	v18 =	vcvt.f32.s32 v12;
	v12 =	vadd.f32 $1.000000000e+00, v15;
	v15 =	vmov s15  }
0xb2: {  	v19 =	vadd.f32 $1.000000000e+00, v19;
	v17 =	vmul.f32 $6.400000000e+01, v17;
	v15 =	vand.u32 $0xFF, v15  }
0xb3: {  	v14 =	vtrunc.f32 v14;
	v20 =	vmul.f32 $6.400000000e+01, v12;
	v12 =	vadd.s32 v10, v15  }
0xb4: {  	s7 =	simm.s32 $0x2;
	v22 =	vmul.f32 $6.400000000e+01, v19;
	v14 =	vcvt.f32.s32 v14;
	vm0 =	vgt.s32 v18, $0x0  }
0xb5: {  	v19 =	vmov s7;
	v17 =	vtrunc.f32 v17;
	v15 =	vnsel vm0, $0x0, v18  }
0xb6: {  	vm0 =	vgt.s32 v14, $0x0;
	v18 =	vtrunc.f32 v20;
	v15 =	vmin.u32 v15, $0x7F  }
0xb7: {  	v14 =	vnsel vm0, $0x0, v14;
	v21 =	vadd.s32 v9, v15;
	v15 =	vmul.f32 $6.400000000e+01, v16  }
0xb8: {  	v17 =	vcvt.f32.s32 v17;
	v14 =	vmin.u32 v14, $0x7F;
	v18 =	vcvt.f32.s32 v18;
	v16 =	vld.idx.msk [tilespmem:v12+s20+$0x0], $0xffff  }
0xb9: {  	v24 =	vadd.s32 v9, v14;
	v14 =	vtrunc.f32 v22;
	v15 =	vtrunc.f32 v15  }
0xba: {  	v23 =	vcvt.f32.s32 v14;
	v14 =	vand.u32 $0xFE, v19;
	vm0 =	vgt.s32 v18, $0x0  }
0xbb: {  	s8 =	simm.s32 $0x50;
	v25 =	vcvt.f32.s32 v15;
	v14 =	vadd.s32 v10, v14;
	v15 =	vnsel vm0, $0x0, v18  }
0xbc: {  	v18 =	vld [tilespmem:s8+$0x0];
	vm0 =	vgt.s32 v23, $0x0;
	v15 =	vmin.u32 v15, $0x7F  }
0xbd: {  	v23 =	vnsel vm0, $0x0, v23;
	vm0 =	vgt.s32 v17, $0x0;
	v16 =	vadd.f32 $1.000000000e+00, v16  }
0xbe: {  	s13 =	simm.s32 $0x5;
	v15 =	vcvt.s32.f32 v15;
	v23 =	vmin.u32 v23, $0x7F;
	v17 =	vnsel vm0, $0x0, v17  }
0xbf: {  	v27 =	vld [tilespmem:s8+$0xFFFFFFF0];
	v23 =	vcvt.s32.f32 v23;
	v19 =	vmul.f32 $6.400000000e+01, v16;
	v16 =	vmov s13  }
0xc0: {  	v20 =	vsub.f32 v20, v15;
	v17 =	vmin.u32 v17, $0x7F;
	v29 =	vld.idx.msk [tilespmem:v14+s20+$0x0], $0xffff;
	v16 =	vand.u32 $0xFF, v16  }
0xc1: {  	v26 =	vld.idx.msk [tilespmem:v21+s19+$0x0], $0xffff;
	v18 =	vadd.f32 $1.000000000e+00, v18;
	v22 =	vsub.f32 v22, v23;
	v15 =	vadd.s32 v10, v16  }
0xc2: {  	vm1 =	vgt.s32 v25, $0x0;
	v17 =	vadd.s32 v9, v17;
	v20 =	vadd.f32 v20, v20;
	v23 =	vld.idx.msk [tilespmem:v24+s19+$0x0], $0xffff  }
0xc3: {  	v18 =	vmul.f32 $6.400000000e+01, v18;
	v16 =	vnsel vm1, $0x0, v25;
	v25 =	vld.idx.msk [tilespmem:v21+s18+$0x0], $0xffff;
	v22 =	vadd.f32 v22, v22  }
0xc4: {  	v30 =	vld.idx.msk [tilespmem:v24+s18+$0x0], $0xffff;
	v28 =	vtrunc.f32 v19;
	v31 =	vadd.f32 $-1.000000000e+00, v20;
	v20 =	vadd.f32 $1.000000000e+00, v27  }
0xc5: {  	v18 =	vtrunc.f32 v18;
	v27 =	vadd.f32 $1.000000000e+00, v29;
	v29 =	vadd.f32 $-1.000000000e+00, v22  }
0xc6: {  	v16 =	vmin.u32 v16, $0x7F;
	v28 =	vcvt.f32.s32 v28;
	v22 =	vmul.f32 v31, v26;
	v32 =	vld.idx.msk [tilespmem:v15+s20+$0x0], $0xffff  }
0xc7: {  	v33 =	vld.idx.msk [tilespmem:v21+s17+$0x0], $0xffff;
	v16 =	vadd.s32 v9, v16;
	v26 =	vmul.f32 $6.400000000e+01, v20;
	v23 =	vmul.f32 v29, v23  }
0xc8: {  	vm2 =	vgt.s32 v28, $0x0;
	v20 =	vmul.f32 $6.400000000e+01, v27;
	v22 =	vadd.f32 v22, v25;
	v25 =	vld.idx.msk [tilespmem:v24+s17+$0x0], $0xffff  }
0xc9: {  	v26 =	vtrunc.f32 v26;
	v27 =	vcvt.f32.s32 v18;
	v23 =	vadd.f32 v23, v30  }
0xca: {  	v63 =	vnsel vm2, $0x0, v28;
	v18 =	vtrunc.f32 v20;
	v22 =	vmul.f32 v22, v31  }
0xcb: {  	s15 =	simm.s32 $0x4;
	vm0 =	vgt.s32 v27, $0x0;
	v34 =	vmul.f32 v23, v29;
	v32 =	vadd.f32 $1.000000000e+00, v32  }
0xcc: {  	v21 =	vld.idx.msk [tilespmem:v21+s16+$0x0], $0xffff;
	v30 =	vcvt.f32.s32 v18;
	v18 =	vmov s15;
	v33 =	vadd.f32 v22, v33  }
0xcd: {  	v18 =	vand.u32 $0xFE, v18;
	v22 =	vld.idx.msk [tilespmem:v24+s16+$0x0], $0xffff;
	v62 =	vadd.f32 v34, v25;
	v23 =	vmul.f32 $6.400000000e+01, v32  }
0xce: {  	v18 =	vadd.s32 v10, v18;
	vm1 =	vgt.s32 v30, $0x0;
	v28 =	vmul.f32 v33, v31  }
0xcf: {  	s4 =	sshll.u32 s22, $0x6;
	s7 =	simm.s32 $0x6;
	s13 =	simm.s32 $0x70;
	v24 =	vld.idx.msk [tilespmem:v16+s19+$0x0], $0xffff;
	v31 =	vmin.u32 v63, $0x7F;
	v29 =	vmul.f32 v62, v29;
	v25 =	vtrunc.f32 v23  }
.LBB2_5:
0xd0: {  	s8 =	sadd.s32 $0x1, s7  }
0xd1: {  	v32 =	vld [tilespmem:s13+$0x0];
	p2 =	slt.u32 s7, $0xFE;
	v30 =	vnsel vm1, $0x0, v30;
	v31 =	vcvt.s32.f32 v31;
	v21 =	vadd.f32 v28, v21;
	s15 =	smov.u32 s7;
	s7 =	sadd.s32 $0x2, s7  }
0xd2: {  	v28 =	vld [tilespmem:s13+$0xFFFFFFF0];
	v33 =	vmov s8;
	v30 =	vmin.u32 v30, $0x7F;
	v22 =	vadd.f32 v29, v22  }
0xd3: {  	v29 =	vand.u32 $0xFF, v33;
	v33 =	vld.idx.msk [tilespmem:v18+s20+$0x0], $0xffff;
	v30 =	vcvt.s32.f32 v30;
	v19 =	vsub.f32 v19, v31;
	[tilespmem:v11+s26+$0x0] =	vst.idx.msk $0xffff, v21  }
0xd4: {  	v26 =	vcvt.f32.s32 v26;
	v21 =	vadd.s32 v10, v29;
	v29 =	vnsel vm0, $0x0, v27;
	v27 =	vld.idx.msk [tilespmem:v16+s18+$0x0], $0xffff;
	[tilespmem:v13+s26+$0x0] =	vst.idx.msk $0xffff, v22  }
0xd5: {  	v11 =	vmovc v12;
	v34 =	vmin.u32 v29, $0x7F;
	v22 =	vld.idx.msk [tilespmem:v17+s19+$0x0], $0xffff;
	v20 =	vsub.f32 v20, v30;
	v35 =	vadd.f32 v19, v19  }
0xd6: {  	v12 =	vmovc v15;
	vm0 =	vgt.s32 v26, $0x0;
	v15 =	vmovc v21;
	v29 =	vadd.f32 $1.000000000e+00, v32;
	v30 =	vadd.s32 v9, v34  }
0xd7: {  	v13 =	vmovc v14;
	v14 =	vmovc v18;
	v26 =	vnsel vm0, $0x0, v26;
	v31 =	vld.idx.msk [tilespmem:v17+s18+$0x0], $0xffff;
	v20 =	vadd.f32 v20, v20;
	v32 =	vadd.f32 $-1.000000000e+00, v35  }
0xd8: {  	v26 =	vmin.u32 v26, $0x7F;
	v18 =	vadd.f32 $1.000000000e+00, v28;
	v19 =	vmovc v23;
	v28 =	vmul.f32 $6.400000000e+01, v29  }
0xd9: {  	v23 =	vld.idx.msk [tilespmem:v21+s20+$0x0], $0xffff;
	v21 =	vadd.f32 $1.000000000e+00, v33;
	v29 =	vadd.f32 $-1.000000000e+00, v20;
	v24 =	vmul.f32 v32, v24  }
0xda: {  	v18 =	vmul.f32 $6.400000000e+01, v18;
	v33 =	vadd.s32 v9, v26;
	v28 =	vtrunc.f32 v28;
	v34 =	vld.idx.msk [tilespmem:v16+s17+$0x0], $0xffff  }
0xdb: {  	v20 =	vmul.f32 $6.400000000e+01, v21;
	v35 =	vld.idx.msk [tilespmem:v17+s17+$0x0], $0xffff;
	v21 =	vmul.f32 v29, v22;
	v22 =	vadd.f32 v24, v27  }
0xdc: {  	v26 =	vtrunc.f32 v18;
	v27 =	vcvt.f32.s32 v28  }
0xdd: {  	v18 =	vtrunc.f32 v20;
	v24 =	vadd.f32 v21, v31;
	v21 =	vld.idx.msk [tilespmem:v16+s16+$0x0], $0xffff;
	v28 =	vmul.f32 v22, v32;
	v16 =	vmovc v30  }
0xde: {  	v25 =	vcvt.f32.s32 v25;
	vm0 =	vgt.s32 v27, $0x0;
	v30 =	vcvt.f32.s32 v18  }
.Ltmp1:
0xdf: {  	v18 =	vmov s15;
	v23 =	vadd.f32 $1.000000000e+00, v23;
	v22 =	vld.idx.msk [tilespmem:v17+s16+$0x0], $0xffff;
	v24 =	vmul.f32 v24, v29;
	v17 =	vmovc v33;
	(pc) =	sbr.rel @p2 .LBB2_5-.Ltmp1, $4  }
0xe0: {  	vm2 =	vgt.s32 v25, $0x0;
	v18 =	vand.u32 $0xFE, v18;
	v28 =	vadd.f32 v28, v34  }
0xe1: {  	v18 =	vadd.s32 v10, v18;
	v23 =	vmul.f32 $6.400000000e+01, v23;
	v33 =	vadd.f32 v24, v35  }
0xe2: {  	v31 =	vnsel vm2, $0x0, v25;
	vm1 =	vgt.s32 v30, $0x0;
	v28 =	vmul.f32 v28, v32  }
0xe3: {  	s13 =	sadd.s32 $0x20, s13;
	v31 =	vmin.u32 v31, $0x7F;
	v25 =	vtrunc.f32 v23;
	v24 =	vld.idx.msk [tilespmem:v16+s19+$0x0], $0xffff;
	v29 =	vmul.f32 v33, v29  }
0xe4: {  	_ =	sdelay $0x3  }
0xe5: {  	v32 =	vld.idx.msk [tilespmem:v18+s20+$0x0], $0xffff;
	_ =	sdelay $0x4  }
0xe6: {  	v32 =	vadd.f32 $1.000000000e+00, v32;
	_ =	sdelay $0x1  }
0xe7: {  	v30 =	vnsel vm1, $0x0, v30;
	v31 =	vcvt.s32.f32 v31;
	v32 =	vmul.f32 $6.400000000e+01, v32  }
0xe8: {  	v26 =	vcvt.f32.s32 v26;
	v27 =	vnsel vm0, $0x0, v27;
	v25 =	vcvt.f32.s32 v25  }
0xe9: {  	v30 =	vmin.u32 v30, $0x7F;
	v27 =	vmin.u32 v27, $0x7F;
	v33 =	vtrunc.f32 v32  }
0xea: {  	v30 =	vcvt.s32.f32 v30;
	vm0 =	vgt.s32 v26, $0x0;
	v33 =	vcvt.f32.s32 v33  }
0xeb: {  	v27 =	vadd.s32 v9, v27;
	v26 =	vnsel vm0, $0x0, v26;
	vm0 =	vgt.s32 v25, $0x0  }
0xec: {  	v26 =	vmin.u32 v26, $0x7F;
	v25 =	vnsel vm0, $0x0, v25;
	vm1 =	vgt.s32 v33, $0x0  }
0xed: {  	v26 =	vadd.s32 v9, v26;
	v25 =	vmin.u32 v25, $0x7F;
	v33 =	vnsel vm1, $0x0, v33  }
0xee: {  	v34 =	vld.idx.msk [tilespmem:v17+s19+$0x0], $0xffff;
	v19 =	vsub.f32 v19, v31;
	v25 =	vcvt.s32.f32 v25;
	v33 =	vmin.u32 v33, $0x7F  }
0xef: {  	v56 =	vld.idx.msk [tilespmem:v17+s18+$0x0], $0xffff;
	v20 =	vsub.f32 v20, v30;
	v30 =	vcvt.s32.f32 v33  }
0xf0: {  	v31 =	vld.idx.msk [tilespmem:v16+s18+$0x0], $0xffff;
	v19 =	vadd.f32 v19, v19;
	v23 =	vsub.f32 v23, v25  }
0xf1: {  	v20 =	vadd.f32 v20, v20;
	v25 =	vld.idx.msk [tilespmem:v27+s19+$0x0], $0xffff;
	v30 =	vsub.f32 v32, v30  }
0xf2: {  	v19 =	vadd.f32 $-1.000000000e+00, v19;
	v57 =	vld.idx.msk [tilespmem:v26+s19+$0x0], $0xffff;
	v23 =	vadd.f32 v23, v23  }
0xf3: {  	v35 =	vld.idx.msk [tilespmem:v27+s18+$0x0], $0xffff;
	v20 =	vadd.f32 $-1.000000000e+00, v20;
	v30 =	vadd.f32 v30, v30  }
0xf4: {  	v24 =	vmul.f32 v19, v24;
	v36 =	vld.idx.msk [tilespmem:v26+s18+$0x0], $0xffff;
	v23 =	vadd.f32 $-1.000000000e+00, v23  }
0xf5: {  	v37 =	vld.idx.msk [tilespmem:v16+s17+$0x0], $0xffff;
	v34 =	vmul.f32 v20, v34;
	v30 =	vadd.f32 $-1.000000000e+00, v30  }
0xf6: {  	v24 =	vadd.f32 v24, v31;
	v31 =	vld.idx.msk [tilespmem:v17+s17+$0x0], $0xffff;
	v25 =	vmul.f32 v23, v25  }
0xf7: {  	v58 =	vld.idx.msk [tilespmem:v27+s17+$0x0], $0xffff;
	v33 =	vadd.f32 v34, v56;
	v32 =	vmul.f32 v30, v57  }
0xf8: {  	v59 =	vld.idx.msk [tilespmem:v26+s17+$0x0], $0xffff;
	v24 =	vmul.f32 v24, v19;
	v25 =	vadd.f32 v25, v35  }
0xf9: {  	s7 =	sor.u32 s5, s4;
	v16 =	vld.idx.msk [tilespmem:v16+s16+$0x0], $0xffff;
	v33 =	vmul.f32 v33, v20;
	v32 =	vadd.f32 v32, v36  }
0xfa: {  	p2 =	seq.s32 s7, $0x0;
	v17 =	vld.idx.msk [tilespmem:v17+s16+$0x0], $0xffff;
	v24 =	vadd.f32 v24, v37;
	v25 =	vmul.f32 v25, v23  }
0xfb: {  	p2 =	por !p0, !p2;
	v27 =	vld.idx.msk [tilespmem:v27+s16+$0x0], $0xffff;
	v31 =	vadd.f32 v33, v31;
	v32 =	vmul.f32 v32, v30  }
0xfc: {  	v21 =	vadd.f32 v28, v21;
	s8 =	simm.s32 $0x1;
	p2 =	por !p2, !p2;
	v19 =	vmul.f32 v24, v19;
	v24 =	vld.idx.msk [tilespmem:v26+s16+$0x0], $0xffff;
	v25 =	vadd.f32 v25, v58  }
0xfd: {  	v22 =	vadd.f32 v29, v22;
	s13 =	sshrl.u32 s7, $0x4;
	s8 =	simm.s32 @!p2 $0x0;
	v20 =	vmul.f32 v31, v20;
	v26 =	vadd.f32 v32, v59  }
0xfe: {  	[tilespmem:v11+s26+$0x0] =	vst.idx.msk $0xffff, v21;
	s8 =	ssub.s32 s13, s8;
	v11 =	vadd.f32 v19, v16;
	v16 =	vmul.f32 v25, v23  }
0xff: {  	s7 =	sshll.u32 s7, $0x8;
	[tilespmem:v13+s26+$0x0] =	vst.idx.msk $0xffff, v22;
	s13 =	sshll.u32 s8, $0xC;
	v13 =	vadd.f32 v20, v17;
	v17 =	vmul.f32 v26, v30  }
0x100: {  	s8 =	sshll.u32 s8, $0x10;
	s7 =	ssub.s32 s7, s13;
	[tilespmem:v12+s26+$0x0] =	vst.idx.msk $0xffff, v11;
	v11 =	vadd.f32 v16, v27  }
0x101: {  	s7 =	sadd.s32 s8, s7;
	[tilespmem:v14+s26+$0x0] =	vst.idx.msk $0xffff, v13;
	v12 =	vadd.f32 v17, v24  }
0x102: {  	s7 =	sshrl.u32 s7, $0x3;
	[tilespmem:v15+s26+$0x0] =	vst.idx.msk $0xffff, v11  }
0x103: {  	s7 =	sadd.s32 s6, s7;
	[tilespmem:v18+s26+$0x0] =	vst.idx.msk $0xffff, v12  }
0x104: {  	[hbm4b:s7+s3] =	stream.linear.scatter [tilespmem:s26], [sflag:$0x3], $0x100, $0x38;
	[tilespmem:$0x9AC0] =	vst v63  }
0x105: {  	s15 =	simm.s32 $0x7AC8;
	s13 =	sadd.s32 $0x200, s7  }
0x106: {  	[hbm4b:s13+s3] =	stream.linear.scatter [tilespmem:s15], [sflag:$0x3], $0x100, $0x38;
	[tilespmem:$0x9AC0] =	vst v63  }
0x107: {  	s13 =	sadd.s32 $0x400, s7;
	s15 =	simm.s32 $0x7BD0  }
0x108: {  	[hbm4b:s13+s3] =	stream.linear.scatter [tilespmem:s15], [sflag:$0x3], $0x100, $0x38;
	[tilespmem:$0x9AC0] =	vst v63  }
0x109: {  	s13 =	sadd.s32 $0x600, s7;
	s15 =	simm.s32 $0x7CD8  }
0x10a: {  	[hbm4b:s13+s3] =	stream.linear.scatter [tilespmem:s15], [sflag:$0x3], $0x100, $0x38;
	[tilespmem:$0x9AC0] =	vst v63  }
0x10b: {  	s13 =	sadd.s32 $0x800, s7;
	s15 =	simm.s32 $0x7DE0  }
0x10c: {  	[hbm4b:s13+s3] =	stream.linear.scatter [tilespmem:s15], [sflag:$0x3], $0x100, $0x38;
	[tilespmem:$0x9AC0] =	vst v63  }
0x10d: {  	s13 =	sadd.s32 $0xA00, s7;
	s15 =	simm.s32 $0x7EE8  }
0x10e: {  	[hbm4b:s13+s3] =	stream.linear.scatter [tilespmem:s15], [sflag:$0x3], $0x100, $0x38;
	[tilespmem:$0x9AC0] =	vst v63  }
0x10f: {  	s13 =	sadd.s32 $0xC00, s7;
	s15 =	simm.s32 $0x7FF0  }
0x110: {  	[hbm4b:s13+s3] =	stream.linear.scatter [tilespmem:s15], [sflag:$0x3], $0x100, $0x38;
	[tilespmem:$0x9AC0] =	vst v63  }
0x111: {  	s13 =	sadd.s32 $0xE00, s7;
	s15 =	simm.s32 $0x80F8  }
0x112: {  	[hbm4b:s13+s3] =	stream.linear.scatter [tilespmem:s15], [sflag:$0x3], $0x100, $0x38;
	[tilespmem:$0x9AC0] =	vst v63  }
0x113: {  	s13 =	sadd.s32 $0x1000, s7;
	s15 =	simm.s32 $0x8200  }
0x114: {  	[hbm4b:s13+s3] =	stream.linear.scatter [tilespmem:s15], [sflag:$0x3], $0x100, $0x38;
	[tilespmem:$0x9AC0] =	vst v63  }
0x115: {  	s13 =	sadd.s32 $0x1200, s7;
	s15 =	simm.s32 $0x8308  }
0x116: {  	[hbm4b:s13+s3] =	stream.linear.scatter [tilespmem:s15], [sflag:$0x3], $0x100, $0x38;
	[tilespmem:$0x9AC0] =	vst v63  }
0x117: {  	s13 =	sadd.s32 $0x1400, s7;
	s15 =	simm.s32 $0x8410  }
0x118: {  	[hbm4b:s13+s3] =	stream.linear.scatter [tilespmem:s15], [sflag:$0x3], $0x100, $0x38;
	[tilespmem:$0x9AC0] =	vst v63  }
0x119: {  	s13 =	sadd.s32 $0x1600, s7;
	s15 =	simm.s32 $0x8518  }
0x11a: {  	[hbm4b:s13+s3] =	stream.linear.scatter [tilespmem:s15], [sflag:$0x3], $0x100, $0x38;
	[tilespmem:$0x9AC0] =	vst v63  }
0x11b: {  	p2 =	seq.s32 s22, $0xF;
	s13 =	sadd.s32 $0x1800, s7;
	s15 =	simm.s32 $0x8620  }
0x11c: {  	[hbm4b:s13+s3] =	stream.linear.scatter [tilespmem:s15], [sflag:$0x3], $0x100, $0x38;
	[tilespmem:$0x9AC0] =	vst v63  }
0x11d: {  	s4 =	sadd.s32 @!p2 s11, s4;
	s13 =	sadd.s32 $0x1A00, s7;
	s15 =	simm.s32 $0x8728  }
0x11e: {  	[hbm4b:s13+s3] =	stream.linear.scatter [tilespmem:s15], [sflag:$0x3], $0x100, $0x38;
	[tilespmem:$0x9AC0] =	vst v63  }
0x11f: {  	s4 =	sshll.u32 @!p2 s4, $0xC;
	s13 =	sadd.s32 $0x1C00, s7;
	s15 =	simm.s32 $0x8830  }
0x120: {  	[hbm4b:s13+s3] =	stream.linear.scatter [tilespmem:s15], [sflag:$0x3], $0x100, $0x38;
	[tilespmem:$0x9AC0] =	vst v63  }
0x121: {  	s4 =	sand.u32 @!p2 $0x7D0000, s4;
	s7 =	sadd.s32 $0x1E00, s7;
	s13 =	simm.s32 $0x8938  }
0x122: {  	[hbm4b:s7+s3] =	stream.linear.scatter [tilespmem:s13], [sflag:$0x3], $0x100, $0x38;
	[tilespmem:$0x9AC0] =	vst v63  }
0x123: {  	s7 =	sor.u32 @!p2 s10, s4  }
0x124: {  	s4 =	sor.u32 @!p2 s12, s4;
	s7 =	sshrl.u32 @!p2 s7, $0x3  }
0x125: {  	s8 =	simm.s32 @!p2 $0x0;
	s4 =	sshrl.u32 @!p2 s4, $0x3;
	s7 =	sadd.s32 @!p2 s1, s7  }
0x126: {  	[tilespmem:s8], [sflag:$0x1] =	stream.linear.gather @!p2 [hbm4b:s7+s8], $0x1000, $0x38;
	[tilespmem:$0x9AC0] =	vst v63  }
0x127: {  	s4 =	sadd.s32 @!p2 s1, s4;
	s7 =	simm.s32 @!p2 $0x2000  }
0x128: {  	[tilespmem:s7], [sflag:$0x1] =	stream.linear.gather @!p2 [hbm4b:s4+s8], $0x100, $0x38;
	[tilespmem:$0x9AC0] =	vst v63  }
0x129: {  	s13 =	simm.s32 @!p2 $0x2108;
	s7 =	sadd.s32 @!p2 $0x200, s4  }
0x12a: {  	[tilespmem:s13], [sflag:$0x1] =	stream.linear.gather @!p2 [hbm4b:s7+s8], $0x100, $0x38;
	[tilespmem:$0x9AC0] =	vst v63  }
0x12b: {  	s7 =	sadd.s32 @!p2 $0x400, s4;
	s13 =	simm.s32 @!p2 $0x2210  }
0x12c: {  	[tilespmem:s13], [sflag:$0x1] =	stream.linear.gather @!p2 [hbm4b:s7+s8], $0x100, $0x38;
	[tilespmem:$0x9AC0] =	vst v63  }
0x12d: {  	s7 =	sadd.s32 @!p2 $0x600, s4;
	s13 =	simm.s32 @!p2 $0x2318  }
0x12e: {  	[tilespmem:s13], [sflag:$0x1] =	stream.linear.gather @!p2 [hbm4b:s7+s8], $0x100, $0x38;
	[tilespmem:$0x9AC0] =	vst v63  }
0x12f: {  	s7 =	sadd.s32 @!p2 $0x800, s4;
	s13 =	simm.s32 @!p2 $0x2420  }
0x130: {  	[tilespmem:s13], [sflag:$0x1] =	stream.linear.gather @!p2 [hbm4b:s7+s8], $0x100, $0x38;
	[tilespmem:$0x9AC0] =	vst v63  }
0x131: {  	s7 =	sadd.s32 @!p2 $0xA00, s4;
	s13 =	simm.s32 @!p2 $0x2528  }
0x132: {  	[tilespmem:s13], [sflag:$0x1] =	stream.linear.gather @!p2 [hbm4b:s7+s8], $0x100, $0x38;
	[tilespmem:$0x9AC0] =	vst v63  }
0x133: {  	s7 =	sadd.s32 @!p2 $0xC00, s4;
	s13 =	simm.s32 @!p2 $0x2630  }
0x134: {  	[tilespmem:s13], [sflag:$0x1] =	stream.linear.gather @!p2 [hbm4b:s7+s8], $0x100, $0x38;
	[tilespmem:$0x9AC0] =	vst v63  }
0x135: {  	s7 =	sadd.s32 @!p2 $0xE00, s4;
	s13 =	simm.s32 @!p2 $0x2738  }
0x136: {  	[tilespmem:s13], [sflag:$0x1] =	stream.linear.gather @!p2 [hbm4b:s7+s8], $0x100, $0x38;
	[tilespmem:$0x9AC0] =	vst v63  }
0x137: {  	s7 =	sadd.s32 @!p2 $0x1000, s4;
	s13 =	simm.s32 @!p2 $0x2840  }
0x138: {  	[tilespmem:s13], [sflag:$0x1] =	stream.linear.gather @!p2 [hbm4b:s7+s8], $0x100, $0x38;
	[tilespmem:$0x9AC0] =	vst v63  }
0x139: {  	s7 =	sadd.s32 @!p2 $0x1200, s4;
	s13 =	simm.s32 @!p2 $0x2948  }
0x13a: {  	[tilespmem:s13], [sflag:$0x1] =	stream.linear.gather @!p2 [hbm4b:s7+s8], $0x100, $0x38;
	[tilespmem:$0x9AC0] =	vst v63  }
0x13b: {  	s7 =	sadd.s32 @!p2 $0x1400, s4;
	s13 =	simm.s32 @!p2 $0x2A50  }
0x13c: {  	[tilespmem:s13], [sflag:$0x1] =	stream.linear.gather @!p2 [hbm4b:s7+s8], $0x100, $0x38;
	[tilespmem:$0x9AC0] =	vst v63  }
0x13d: {  	s7 =	sadd.s32 @!p2 $0x1600, s4;
	s13 =	simm.s32 @!p2 $0x2B58  }
0x13e: {  	[tilespmem:s13], [sflag:$0x1] =	stream.linear.gather @!p2 [hbm4b:s7+s8], $0x100, $0x38;
	[tilespmem:$0x9AC0] =	vst v63  }
0x13f: {  	s7 =	sadd.s32 @!p2 $0x1800, s4;
	s13 =	simm.s32 @!p2 $0x2C60  }
0x140: {  	[tilespmem:s13], [sflag:$0x1] =	stream.linear.gather @!p2 [hbm4b:s7+s8], $0x100, $0x38;
	[tilespmem:$0x9AC0] =	vst v63  }
0x141: {  	s7 =	sadd.s32 @!p2 $0x1A00, s4;
	s13 =	simm.s32 @!p2 $0x2D68  }
0x142: {  	[tilespmem:s13], [sflag:$0x1] =	stream.linear.gather @!p2 [hbm4b:s7+s8], $0x100, $0x38;
	[tilespmem:$0x9AC0] =	vst v63  }
0x143: {  	s7 =	sadd.s32 @!p2 $0x1C00, s4;
	s13 =	simm.s32 @!p2 $0x2E70  }
0x144: {  	[tilespmem:s13], [sflag:$0x1] =	stream.linear.gather @!p2 [hbm4b:s7+s8], $0x100, $0x38;
	[tilespmem:$0x9AC0] =	vst v63  }
0x145: {  	s4 =	sadd.s32 @!p2 $0x1E00, s4;
	s7 =	simm.s32 @!p2 $0x2F78  }
0x146: {  	[tilespmem:s7], [sflag:$0x1] =	stream.linear.gather @!p2 [hbm4b:s4+s8], $0x100, $0x38;
	[tilespmem:$0x9AC0] =	vst v63  }
0x147: {  	_ =	swait.ge [sflag:s29], $0x1000  }
0x148: {  	[sflag:s29] =	ssyncset.done $0x0  }
0x149: {  	[sflag:s29] =	ssyncadd.s32 $0xFFFFF000  }
0x14a: {  	_ =	swait.ge [sflag:s29], $0x1000  }
0x14b: {  	[sflag:s29] =	ssyncset.done $0x0  }
0x14c: {  	s4 =	simm.s32 @!p1 $0x4;
	[sflag:s29] =	ssyncadd.s32 $0xFFFFF000  }
0x14d: {  	s15 =	simm.s32 $0x1;
	_ =	swait.ge @!p1 [sflag:s4], $0x1000  }
0x14e: {  	v11 =	vmov s15;
	[sflag:s4] =	ssyncset.done @!p1 $0x0  }
0x14f: {  	v11 =	vand.u32 $0xFF, v11;
	s7 =	simm.s32 $0x1010;
	[sflag:s4] =	ssyncadd.s32 @!p1 $0xFFFFF000  }
0x150: {  	v11 =	vadd.s32 v10, v11;
	v12 =	vld [tilespmem:s7+$0x0];
	_ =	sdelay $0x1  }
0x151: {  	s8 =	simm.s32 $0x0  }
0x152: {  	v14 =	vmov s8  }
0x153: {  	v14 =	vand.u32 $0xFE, v14;
	v13 =	vld [tilespmem:s7+$0xFFFFFFF0]  }
0x154: {  	s13 =	simm.s32 $0x1030;
	v16 =	vld.idx.msk [tilespmem:v11+s25+$0x0], $0xffff;
	v15 =	vadd.f32 $1.000000000e+00, v12;
	v12 =	vadd.s32 v10, v14  }
0x155: {  	s8 =	simm.s32 $0x1050;
	v17 =	vld [tilespmem:s13+$0xFFFFFFF0]  }
0x156: {  	v27 =	vld [tilespmem:s8+$0xFFFFFFF0];
	_ =	sdelay $0x1  }
0x157: {  	s15 =	simm.s32 $0x3;
	s7 =	simm.s32 $0x2;
	v13 =	vadd.f32 $1.000000000e+00, v13;
	v14 =	vmul.f32 $6.400000000e+01, v15  }
0x158: {  	v18 =	vmov s15;
	v23 =	vmov s7;
	v16 =	vadd.f32 $1.000000000e+00, v16;
	v19 =	vld.idx.msk [tilespmem:v12+s25+$0x0], $0xffff  }
0x159: {  	v17 =	vadd.f32 $1.000000000e+00, v17;
	v15 =	vld [tilespmem:s13+$0x0];
	v13 =	vmul.f32 $6.400000000e+01, v13;
	v14 =	vtrunc.f32 v14  }
0x15a: {  	v27 =	vadd.f32 $1.000000000e+00, v27;
	v16 =	vmul.f32 $6.400000000e+01, v16;
	v14 =	vcvt.f32.s32 v14  }
0x15b: {  	v17 =	vmul.f32 $6.400000000e+01, v17;
	v20 =	vtrunc.f32 v13;
	v13 =	vand.u32 $0xFF, v18  }
0x15c: {  	v13 =	vadd.s32 v10, v13;
	v18 =	vcvt.f32.s32 v20;
	vm0 =	vgt.s32 v14, $0x0  }
0x15d: {  	v20 =	vtrunc.f32 v16;
	v14 =	vnsel vm0, $0x0, v14;
	v19 =	vadd.f32 $1.000000000e+00, v19  }
0x15e: {  	v15 =	vadd.f32 $1.000000000e+00, v15;
	vm0 =	vgt.s32 v18, $0x0;
	v14 =	vmin.u32 v14, $0x7F  }
0x15f: {  	v21 =	vadd.s32 v9, v14;
	v14 =	vnsel vm0, $0x0, v18;
	v19 =	vmul.f32 $6.400000000e+01, v19  }
0x160: {  	v27 =	vmul.f32 $6.400000000e+01, v27;
	v20 =	vcvt.f32.s32 v20;
	v14 =	vmin.u32 v14, $0x7F  }
0x161: {  	s13 =	simm.s32 $0x5;
	v15 =	vmul.f32 $6.400000000e+01, v15;
	v18 =	vld.idx.msk [tilespmem:v13+s25+$0x0], $0xffff;
	v22 =	vadd.s32 v9, v14;
	v14 =	vtrunc.f32 v19  }
0x162: {  	v26 =	vmov s13;
	v24 =	vcvt.f32.s32 v14;
	v14 =	vand.u32 $0xFE, v23  }
0x163: {  	vm0 =	vgt.s32 v20, $0x0;
	v15 =	vtrunc.f32 v15;
	v14 =	vadd.s32 v10, v14  }
0x164: {  	v23 =	vcvt.f32.s32 v15;
	v15 =	vnsel vm0, $0x0, v20;
	vm0 =	vgt.s32 v24, $0x0  }
0x165: {  	v17 =	vtrunc.f32 v17;
	v20 =	vld [tilespmem:s8+$0x0];
	v15 =	vmin.u32 v15, $0x7F;
	v24 =	vnsel vm0, $0x0, v24  }
0x166: {  	v18 =	vadd.f32 $1.000000000e+00, v18;
	v15 =	vcvt.s32.f32 v15;
	v24 =	vmin.u32 v24, $0x7F  }
0x167: {  	v26 =	vand.u32 $0xFF, v26;
	v17 =	vcvt.f32.s32 v17;
	v24 =	vcvt.s32.f32 v24  }
0x168: {  	vm1 =	vgt.s32 v23, $0x0;
	v18 =	vmul.f32 $6.400000000e+01, v18;
	v16 =	vsub.f32 v16, v15;
	v29 =	vld.idx.msk [tilespmem:v14+s25+$0x0], $0xffff  }
0x169: {  	v25 =	vld.idx.msk [tilespmem:v21+s19+$0x0], $0xffff;
	v23 =	vnsel vm1, $0x0, v23;
	v15 =	vadd.s32 v10, v26;
	v19 =	vsub.f32 v19, v24  }
0x16a: {  	v20 =	vadd.f32 $1.000000000e+00, v20;
	v24 =	vadd.f32 v16, v16;
	v16 =	vmin.u32 v23, $0x7F;
	v23 =	vld.idx.msk [tilespmem:v22+s19+$0x0], $0xffff  }
0x16b: {  	vm0 =	vgt.s32 v17, $0x0;
	v28 =	vtrunc.f32 v18;
	v26 =	vld.idx.msk [tilespmem:v21+s18+$0x0], $0xffff;
	v19 =	vadd.f32 v19, v19  }
0x16c: {  	v30 =	vld.idx.msk [tilespmem:v22+s18+$0x0], $0xffff;
	v17 =	vnsel vm0, $0x0, v17;
	v20 =	vmul.f32 $6.400000000e+01, v20;
	v24 =	vadd.f32 $-1.000000000e+00, v24  }
0x16d: {  	v28 =	vcvt.f32.s32 v28;
	v29 =	vadd.f32 $1.000000000e+00, v29;
	v60 =	vadd.f32 $-1.000000000e+00, v19  }
0x16e: {  	v17 =	vmin.u32 v17, $0x7F;
	v31 =	vtrunc.f32 v20;
	v19 =	vmul.f32 v24, v25;
	v25 =	vld.idx.msk [tilespmem:v15+s25+$0x0], $0xffff  }
0x16f: {  	v61 =	vld.idx.msk [tilespmem:v21+s17+$0x0], $0xffff;
	v17 =	vadd.s32 v9, v17;
	v20 =	vmul.f32 $6.400000000e+01, v29;
	v23 =	vmul.f32 v60, v23  }
0x170: {  	vm2 =	vgt.s32 v28, $0x0;
	v19 =	vadd.f32 v19, v26;
	v29 =	vld.idx.msk [tilespmem:v22+s17+$0x0], $0xffff;
	v26 =	vtrunc.f32 v27  }
0x171: {  	v27 =	vcvt.f32.s32 v31;
	v31 =	vtrunc.f32 v20;
	v23 =	vadd.f32 v23, v30  }
0x172: {  	s15 =	simm.s32 $0x4;
	v16 =	vadd.s32 v9, v16;
	v19 =	vmul.f32 v19, v24;
	v30 =	vcvt.f32.s32 v31  }
0x173: {  	v31 =	vmov s15;
	v25 =	vadd.f32 $1.000000000e+00, v25;
	v62 =	vmul.f32 v23, v60  }
0x174: {  	v21 =	vld.idx.msk [tilespmem:v21+s16+$0x0], $0xffff;
	v63 =	vnsel vm2, $0x0, v28;
	v23 =	vand.u32 $0xFE, v31;
	v31 =	vadd.f32 v19, v61  }
0x175: {  	v22 =	vld.idx.msk [tilespmem:v22+s16+$0x0], $0xffff;
	v19 =	vadd.s32 v10, v23;
	v23 =	vmul.f32 $6.400000000e+01, v25;
	v29 =	vadd.f32 v62, v29  }
0x176: {  	vm0 =	vgt.s32 v27, $0x0;
	vm1 =	vgt.s32 v30, $0x0;
	v28 =	vmul.f32 v31, v24  }
0x177: {  	s4 =	simm.s32 $0x6;
	s7 =	simm.s32 $0x1070;
	v24 =	vld.idx.msk [tilespmem:v16+s19+$0x0], $0xffff;
	v31 =	vmin.u32 v63, $0x7F;
	v25 =	vtrunc.f32 v23;
	v29 =	vmul.f32 v29, v60  }
.LBB2_7:
0x178: {  	s8 =	sadd.s32 $0x1, s4  }
0x179: {  	v32 =	vld [tilespmem:s7+$0x0];
	p1 =	slt.u32 s4, $0xFE;
	v30 =	vnsel vm1, $0x0, v30;
	v31 =	vcvt.s32.f32 v31;
	v21 =	vadd.f32 v28, v21;
	s13 =	smov.u32 s4;
	s4 =	sadd.s32 $0x2, s4  }
0x17a: {  	v28 =	vld [tilespmem:s7+$0xFFFFFFF0];
	v33 =	vmov s8;
	v30 =	vmin.u32 v30, $0x7F;
	v22 =	vadd.f32 v29, v22  }
0x17b: {  	v29 =	vand.u32 $0xFF, v33;
	v33 =	vld.idx.msk [tilespmem:v19+s25+$0x0], $0xffff;
	v30 =	vcvt.s32.f32 v30;
	v18 =	vsub.f32 v18, v31;
	[tilespmem:v11+s30+$0x0] =	vst.idx.msk $0xffff, v21  }
0x17c: {  	v26 =	vcvt.f32.s32 v26;
	v21 =	vadd.s32 v10, v29;
	v29 =	vnsel vm0, $0x0, v27;
	v27 =	vld.idx.msk [tilespmem:v16+s18+$0x0], $0xffff;
	[tilespmem:v12+s30+$0x0] =	vst.idx.msk $0xffff, v22  }
0x17d: {  	v11 =	vmovc v13;
	v34 =	vmin.u32 v29, $0x7F;
	v22 =	vld.idx.msk [tilespmem:v17+s19+$0x0], $0xffff;
	v20 =	vsub.f32 v20, v30;
	v35 =	vadd.f32 v18, v18  }
0x17e: {  	v13 =	vmovc v15;
	vm0 =	vgt.s32 v26, $0x0;
	v15 =	vmovc v21;
	v29 =	vadd.f32 $1.000000000e+00, v32;
	v30 =	vadd.s32 v9, v34  }
0x17f: {  	v12 =	vmovc v14;
	v14 =	vmovc v19;
	v26 =	vnsel vm0, $0x0, v26;
	v31 =	vld.idx.msk [tilespmem:v17+s18+$0x0], $0xffff;
	v20 =	vadd.f32 v20, v20;
	v32 =	vadd.f32 $-1.000000000e+00, v35  }
0x180: {  	v26 =	vmin.u32 v26, $0x7F;
	v19 =	vadd.f32 $1.000000000e+00, v28;
	v18 =	vmovc v23;
	v28 =	vmul.f32 $6.400000000e+01, v29  }
0x181: {  	v23 =	vld.idx.msk [tilespmem:v21+s25+$0x0], $0xffff;
	v21 =	vadd.f32 $1.000000000e+00, v33;
	v29 =	vadd.f32 $-1.000000000e+00, v20;
	v24 =	vmul.f32 v32, v24  }
0x182: {  	v19 =	vmul.f32 $6.400000000e+01, v19;
	v33 =	vadd.s32 v9, v26;
	v28 =	vtrunc.f32 v28;
	v34 =	vld.idx.msk [tilespmem:v16+s17+$0x0], $0xffff  }
0x183: {  	v20 =	vmul.f32 $6.400000000e+01, v21;
	v35 =	vld.idx.msk [tilespmem:v17+s17+$0x0], $0xffff;
	v21 =	vmul.f32 v29, v22;
	v22 =	vadd.f32 v24, v27  }
0x184: {  	v26 =	vtrunc.f32 v19;
	v27 =	vcvt.f32.s32 v28  }
0x185: {  	v19 =	vtrunc.f32 v20;
	v24 =	vadd.f32 v21, v31;
	v21 =	vld.idx.msk [tilespmem:v16+s16+$0x0], $0xffff;
	v28 =	vmul.f32 v22, v32;
	v16 =	vmovc v30  }
0x186: {  	v25 =	vcvt.f32.s32 v25;
	vm0 =	vgt.s32 v27, $0x0;
	v30 =	vcvt.f32.s32 v19  }
.Ltmp2:
0x187: {  	v19 =	vmov s13;
	v23 =	vadd.f32 $1.000000000e+00, v23;
	v22 =	vld.idx.msk [tilespmem:v17+s16+$0x0], $0xffff;
	v24 =	vmul.f32 v24, v29;
	v17 =	vmovc v33;
	(pc) =	sbr.rel @p1 .LBB2_7-.Ltmp2, $4  }
0x188: {  	vm2 =	vgt.s32 v25, $0x0;
	v19 =	vand.u32 $0xFE, v19;
	v28 =	vadd.f32 v28, v34  }
0x189: {  	v19 =	vadd.s32 v10, v19;
	v23 =	vmul.f32 $6.400000000e+01, v23;
	v33 =	vadd.f32 v24, v35  }
0x18a: {  	v31 =	vnsel vm2, $0x0, v25;
	vm1 =	vgt.s32 v30, $0x0;
	v28 =	vmul.f32 v28, v32  }
0x18b: {  	s7 =	sadd.s32 $0x20, s7;
	v31 =	vmin.u32 v31, $0x7F;
	v25 =	vtrunc.f32 v23;
	v24 =	vld.idx.msk [tilespmem:v16+s19+$0x0], $0xffff;
	v29 =	vmul.f32 v33, v29  }
0x18c: {  	_ =	sdelay $0x3  }
0x18d: {  	v32 =	vld.idx.msk [tilespmem:v19+s25+$0x0], $0xffff;
	_ =	sdelay $0x4  }
0x18e: {  	v32 =	vadd.f32 $1.000000000e+00, v32;
	_ =	sdelay $0x1  }
0x18f: {  	v30 =	vnsel vm1, $0x0, v30;
	v31 =	vcvt.s32.f32 v31;
	v32 =	vmul.f32 $6.400000000e+01, v32  }
0x190: {  	v26 =	vcvt.f32.s32 v26;
	v27 =	vnsel vm0, $0x0, v27;
	v25 =	vcvt.f32.s32 v25  }
0x191: {  	v30 =	vmin.u32 v30, $0x7F;
	v27 =	vmin.u32 v27, $0x7F;
	v33 =	vtrunc.f32 v32  }
0x192: {  	v30 =	vcvt.s32.f32 v30;
	vm13 =	vgt.s32 v26, $0x0;
	v33 =	vcvt.f32.s32 v33  }
0x193: {  	v27 =	vadd.s32 v9, v27;
	vm14 =	vgt.s32 v25, $0x0;
	v26 =	vnsel vm13, $0x0, v26  }
0x194: {  	v25 =	vnsel vm14, $0x0, v25;
	v26 =	vmin.u32 v26, $0x7F;
	vm15 =	vgt.s32 v33, $0x0  }
0x195: {  	v25 =	vmin.u32 v25, $0x7F;
	v26 =	vadd.s32 v9, v26;
	v33 =	vnsel vm15, $0x0, v33  }
0x196: {  	v47 =	vld.idx.msk [tilespmem:v16+s18+$0x0], $0xffff;
	v18 =	vsub.f32 v18, v31;
	v25 =	vcvt.s32.f32 v25;
	v33 =	vmin.u32 v33, $0x7F  }
0x197: {  	v34 =	vld.idx.msk [tilespmem:v17+s19+$0x0], $0xffff;
	v20 =	vsub.f32 v20, v30;
	v48 =	vcvt.s32.f32 v33  }
0x198: {  	v49 =	vld.idx.msk [tilespmem:v17+s18+$0x0], $0xffff;
	v18 =	vadd.f32 v18, v18;
	v23 =	vsub.f32 v23, v25  }
0x199: {  	v20 =	vadd.f32 v20, v20;
	v50 =	vld.idx.msk [tilespmem:v27+s19+$0x0], $0xffff;
	v30 =	vsub.f32 v32, v48  }
0x19a: {  	v18 =	vadd.f32 $-1.000000000e+00, v18;
	v23 =	vadd.f32 v23, v23;
	v51 =	vld.idx.msk [tilespmem:v26+s19+$0x0], $0xffff  }
0x19b: {  	v35 =	vld.idx.msk [tilespmem:v27+s18+$0x0], $0xffff;
	v20 =	vadd.f32 $-1.000000000e+00, v20;
	v30 =	vadd.f32 v30, v30  }
0x19c: {  	v24 =	vmul.f32 v18, v24;
	v36 =	vld.idx.msk [tilespmem:v26+s18+$0x0], $0xffff;
	v23 =	vadd.f32 $-1.000000000e+00, v23  }
0x19d: {  	v37 =	vld.idx.msk [tilespmem:v16+s17+$0x0], $0xffff;
	v34 =	vmul.f32 v20, v34;
	v30 =	vadd.f32 $-1.000000000e+00, v30  }
0x19e: {  	v52 =	vld.idx.msk [tilespmem:v17+s17+$0x0], $0xffff;
	v24 =	vadd.f32 v24, v47;
	v25 =	vmul.f32 v23, v50  }
0x19f: {  	v53 =	vld.idx.msk [tilespmem:v27+s17+$0x0], $0xffff;
	v33 =	vadd.f32 v34, v49;
	v32 =	vmul.f32 v30, v51  }
0x1a0: {  	v54 =	vld.idx.msk [tilespmem:v26+s17+$0x0], $0xffff;
	v24 =	vmul.f32 v24, v18;
	v25 =	vadd.f32 v25, v35  }
0x1a1: {  	v55 =	vld.idx.msk [tilespmem:v16+s16+$0x0], $0xffff;
	v33 =	vmul.f32 v33, v20;
	v32 =	vadd.f32 v32, v36  }
0x1a2: {  	v56 =	vld.idx.msk [tilespmem:v17+s16+$0x0], $0xffff;
	v24 =	vadd.f32 v24, v37;
	v25 =	vmul.f32 v25, v23  }
0x1a3: {  	v27 =	vld.idx.msk [tilespmem:v27+s16+$0x0], $0xffff;
	v31 =	vadd.f32 v33, v52;
	v32 =	vmul.f32 v32, v30  }
0x1a4: {  	v21 =	vadd.f32 v28, v21;
	v58 =	vld.idx.msk [tilespmem:v26+s16+$0x0], $0xffff;
	v18 =	vmul.f32 v24, v18;
	v57 =	vadd.f32 v25, v53  }
0x1a5: {  	v22 =	vadd.f32 v29, v22;
	v20 =	vmul.f32 v31, v20;
	v59 =	vadd.f32 v32, v54  }
0x1a6: {  	[tilespmem:v11+s30+$0x0] =	vst.idx.msk $0xffff, v21;
	v11 =	vadd.f32 v18, v55;
	v60 =	vmul.f32 v57, v23  }
0x1a7: {  	[tilespmem:v12+s30+$0x0] =	vst.idx.msk $0xffff, v22;
	v61 =	vadd.f32 v20, v56;
	v62 =	vmul.f32 v59, v30  }
0x1a8: {  	[tilespmem:v13+s30+$0x0] =	vst.idx.msk $0xffff, v11;
	v11 =	vadd.f32 v60, v27  }
0x1a9: {  	[tilespmem:v14+s30+$0x0] =	vst.idx.msk $0xffff, v61;
	v63 =	vadd.f32 v62, v58  }
0x1aa: {  	[tilespmem:v15+s30+$0x0] =	vst.idx.msk $0xffff, v11  }
0x1ab: {  	s4 =	sadd.s32 s6, s23;
	[tilespmem:v19+s30+$0x0] =	vst.idx.msk $0xffff, v63  }
0x1ac: {  	[hbm4b:s4+s3] =	stream.linear.scatter [tilespmem:s30], [sflag:$0x4], $0x100, $0x38;
	[tilespmem:$0x9AC0] =	vst v63  }
0x1ad: {  	s8 =	simm.s32 $0x8B48;
	s7 =	sadd.s32 $0x200, s4  }
0x1ae: {  	[hbm4b:s7+s3] =	stream.linear.scatter [tilespmem:s8], [sflag:$0x4], $0x100, $0x38;
	[tilespmem:$0x9AC0] =	vst v63  }
0x1af: {  	s13 =	simm.s32 $0x8C50;
	s8 =	sadd.s32 $0x400, s4  }
0x1b0: {  	[hbm4b:s8+s3] =	stream.linear.scatter [tilespmem:s13], [sflag:$0x4], $0x100, $0x38;
	[tilespmem:$0x9AC0] =	vst v63  }
0x1b1: {  	s23 =	simm.s32 $0x8D58;
	s15 =	sadd.s32 $0x600, s4  }
0x1b2: {  	[hbm4b:s15+s3] =	stream.linear.scatter [tilespmem:s23], [sflag:$0x4], $0x100, $0x38;
	[tilespmem:$0x9AC0] =	vst v63  }
0x1b3: {  	s8 =	sadd.s32 $0x800, s4;
	s13 =	simm.s32 $0x8E60  }
0x1b4: {  	[hbm4b:s8+s3] =	stream.linear.scatter [tilespmem:s13], [sflag:$0x4], $0x100, $0x38;
	[tilespmem:$0x9AC0] =	vst v63  }
0x1b5: {  	s15 =	sadd.s32 $0xA00, s4;
	s23 =	simm.s32 $0x8F68  }
0x1b6: {  	[hbm4b:s15+s3] =	stream.linear.scatter [tilespmem:s23], [sflag:$0x4], $0x100, $0x38;
	[tilespmem:$0x9AC0] =	vst v63  }
0x1b7: {  	s8 =	sadd.s32 $0xC00, s4;
	s13 =	simm.s32 $0x9070  }
0x1b8: {  	[hbm4b:s8+s3] =	stream.linear.scatter [tilespmem:s13], [sflag:$0x4], $0x100, $0x38;
	[tilespmem:$0x9AC0] =	vst v63  }
0x1b9: {  	s15 =	sadd.s32 $0xE00, s4;
	s23 =	simm.s32 $0x9178  }
0x1ba: {  	[hbm4b:s15+s3] =	stream.linear.scatter [tilespmem:s23], [sflag:$0x4], $0x100, $0x38;
	[tilespmem:$0x9AC0] =	vst v63  }
0x1bb: {  	s8 =	sadd.s32 $0x1000, s4;
	s13 =	simm.s32 $0x9280  }
0x1bc: {  	[hbm4b:s8+s3] =	stream.linear.scatter [tilespmem:s13], [sflag:$0x4], $0x100, $0x38;
	[tilespmem:$0x9AC0] =	vst v63  }
0x1bd: {  	s15 =	sadd.s32 $0x1200, s4;
	s23 =	simm.s32 $0x9388  }
0x1be: {  	[hbm4b:s15+s3] =	stream.linear.scatter [tilespmem:s23], [sflag:$0x4], $0x100, $0x38;
	[tilespmem:$0x9AC0] =	vst v63  }
0x1bf: {  	s8 =	sadd.s32 $0x1400, s4;
	s13 =	simm.s32 $0x9490  }
0x1c0: {  	[hbm4b:s8+s3] =	stream.linear.scatter [tilespmem:s13], [sflag:$0x4], $0x100, $0x38;
	[tilespmem:$0x9AC0] =	vst v63  }
0x1c1: {  	s15 =	sadd.s32 $0x1600, s4;
	s23 =	simm.s32 $0x9598  }
0x1c2: {  	[hbm4b:s15+s3] =	stream.linear.scatter [tilespmem:s23], [sflag:$0x4], $0x100, $0x38;
	[tilespmem:$0x9AC0] =	vst v63  }
0x1c3: {  	s22 =	sadd.s32 $0x1, s22;
	s8 =	sadd.s32 $0x1800, s4;
	s13 =	simm.s32 $0x96A0  }
0x1c4: {  	[hbm4b:s8+s3] =	stream.linear.scatter [tilespmem:s13], [sflag:$0x4], $0x100, $0x38;
	[tilespmem:$0x9AC0] =	vst v63  }
0x1c5: {  	p1 =	sne.s32 s22, $0x10;
	s15 =	sadd.s32 $0x1A00, s4  }
0x1c6: {  	[hbm4b:s15+s3] =	stream.linear.scatter [tilespmem:s31], [sflag:$0x4], $0x100, $0x38;
	[tilespmem:$0x9AC0] =	vst v63  }
.Ltmp3:
0x1c7: {  	_ = 	snop;
	(pc) =	sbr.rel @p1 .LBB2_4-.Ltmp3, $4  }
0x1c8: {  	s23 =	sadd.s32 $0x1C00, s4  }
0x1c9: {  	[hbm4b:s23+s3] =	stream.linear.scatter [tilespmem:s0], [sflag:$0x4], $0x100, $0x38;
	[tilespmem:$0x9AC0] =	vst v63  }
0x1ca: {  	s4 =	sadd.s32 $0x1E00, s4  }
0x1cb: {  	[hbm4b:s4+s3] =	stream.linear.scatter [tilespmem:s2], [sflag:$0x4], $0x100, $0x38;
	[tilespmem:$0x9AC0] =	vst v63  }
0x1cc: {  	s4 =	simm.s32 $0x3  }
0x1cd: {  	_ =	swait.ge [sflag:s4], $0x1000  }
0x1ce: {  	[sflag:s4] =	ssyncset.done $0x0  }
0x1cf: {  	s7 =	simm.s32 $0x4;
	[sflag:s4] =	ssyncadd.s32 $0xFFFFF000  }
0x1d0: {  	_ =	swait.ge [sflag:s7], $0x1000  }
0x1d1: {  	s8 =	rddreg [dreg:$0x7]  }
0x1d2: {  	s28 =	rddreg [dreg:$0x6];
	s8 =	sadd.s32 $0x1, s8  }
0x1d3: {  	p1 =	sne.s32 s8, s28  }
.Ltmp4:
0x1d4: {  	_ = 	snop;
	(pc) =	sbr.rel @p1 .LBB2_1-.Ltmp4, $3  }
0x1d5: {  	_ =	sdelay $0x1  }
0x1d6: {  	[sflag:s7] =	ssyncset.done $0x0  }
0x1d7: {  	[sflag:s7] =	ssyncadd.s32 $0xFFFFF000  }
0x1d8: {  	_ =	sfence.sel $0x180000  }
0x1d9: {  	[bflag:$0x0] =	sbarrier.arrive $0xFFFF  }
0x1da: {  	_ =	strace $0x90000047  }
0x1db: {  	s0 =	stileid.u32;
	[bflag:$0x2] =	sbarrier.arrive $0xFFFF  }
0x1dc: {  	p0 =	sne.s32 s0, $0x0;
	s0 =	rddreg [dreg:$0x2]  }
0x1dd: {  	s0 =	sadd.s32 @!p0 $0x100000, s0  }
0x1de: {  	[sflag:s0] =	ssyncadd.tile.s32 @!p0 $0x1;
	_ =	shalt  }
.Lfunc_end2:
_tile_overlayer_lowered:
.L_overlay_start_2:
0x1df: {  	(tag) =	ssettag $0x2  }
0x1e0: {  	s0 =	rddreg [dreg:$0x0];
	s2 =	stileid.u32  }
0x1e1: {  	s1 =	rddreg [dreg:$0x1];
	p0 =	sne.s32 s2, $0x0  }
0x1e2: {  	s3 =	rddreg [dreg:$0x2];
	[bflag:$0x3] =	sbarrier.arrive $0xFFFF;
	s2 =	simm.s32 @!p0 $0x1C05  }
0x1e3: {  	[timem:s3], [sflag:s2] =	dma.local @!p0 [hbm:s0], s1  }
0x1e4: {  	s0 =	simm.s32 @!p0 $0x5  }
0x1e5: {  	_ =	swait.ge @!p0 [sflag:s0], s1  }
0x1e6: {  	s1 =	ssub.s32 @!p0 $0x0, s1;
	[sflag:s0] =	ssyncset.done @!p0 $0x0  }
0x1e7: {  	[sflag:s0] =	ssyncadd.s32 @!p0 s1  }
0x1e8: {  	[bflag:$0x3] =	sbarrier.arrive $0xFFFF  }
0x1e9: {  	_ =	shalt  }

</sc_bundles>
